<compile_context>
chip_gen: v7x
topology: tpu7x:2x2x1
jax: 0.10.2.dev20260603
libtpu: 0.0.44.dev20260713+nightly
codegen_flags: <defaults>
</compile_context>

<pallas_src>
import functools

import jax
import jax.numpy as jnp
from jax import lax
from jax.experimental import pallas as pl
from jax.experimental.pallas import tpu as pltpu
from jax.experimental.pallas import tpu_sc as plsc

_B, _L, _D = 1024, 200, 128
_NC, _NS = 2, 16
_NW = _NC * _NS
_RW = _B // _NW
_NCH = (_L + 15) // 16
_LP = _NCH * 16
_TAIL = _L - (_NCH - 1) * 16
_VOCAB = 1000

_mesh = plsc.VectorSubcoreMesh(core_axis_name="c", subcore_axis_name="s")


@functools.partial(
    pl.kernel,
    out_type=jax.ShapeDtypeStruct((_B, _L, _D), jnp.float32),
    mesh=_mesh,
    scratch_types=[
        pltpu.VMEM((_LP,), jnp.int32),
        pltpu.VMEM((_LP,), jnp.int32),
        pltpu.VMEM((_LP,), jnp.int32),
        pltpu.VMEM((_LP,), jnp.int32),
        pltpu.VMEM((_LP, _D), jnp.float32),
        pltpu.VMEM((_LP, _D), jnp.float32),
        pltpu.VMEM((_LP, _D), jnp.float32),
        pltpu.VMEM((_LP, _D), jnp.float32),
        pltpu.VMEM_SHARED((_VOCAB, _D), jnp.float32),
        pltpu.VMEM_SHARED((256, _D), jnp.float32),
        pltpu.SemaphoreType.DMA,
        pltpu.SemaphoreType.DMA,
        pltpu.SemaphoreType.DMA,
        pltpu.SemaphoreType.DMA,
        pltpu.SemaphoreType.DMA,
        pltpu.SemaphoreType.DMA,
        pltpu.SemaphoreType.DMA,
        pltpu.SemaphoreType.DMA,
    ],
    compiler_params=pltpu.CompilerParams(needs_layout_passes=False),
)
def _embed_kernel(ids_hbm, char_hbm, pos_hbm, out_hbm,
                  idx0, idx1, pidx0, pidx1, cbuf0, cbuf1, pbuf0, pbuf1,
                  ctab_s, ptab_s,
                  sem_i0, sem_i1, sem_g0, sem_g1, sem_p0, sem_p1,
                  sem_o0, sem_o1):
    idxs = (idx0, idx1)
    pidxs = (pidx0, pidx1)
    cbufs = (cbuf0, cbuf1)
    pbufs = (pbuf0, pbuf1)
    sem_i = (sem_i0, sem_i1)
    sem_g = (sem_g0, sem_g1)
    sem_p = (sem_p0, sem_p1)
    sem_o = (sem_o0, sem_o1)

    wid = lax.axis_index("s") * _NC + lax.axis_index("c")
    row0 = wid * _RW
    lanes = lax.iota(jnp.int32, 16)
    ones = jnp.full((16,), 1, jnp.int32)
    zeros = jnp.full((16,), 0, jnp.int32)

    @pl.when(lax.axis_index("s") == 0)
    def _stage_ctab():
        pltpu.sync_copy(char_hbm, ctab_s)

    @pl.when(lax.axis_index("s") == 1)
    def _stage_ptab():
        pltpu.sync_copy(pos_hbm, ptab_s)

    plsc.subcore_barrier()

    def issue_ids(r, b):
        return pltpu.async_copy(ids_hbm.at[pl.ds(r * _L, _L)],
                                idxs[b].at[pl.ds(0, _L)], sem_i[b])

    def wait_ids(b):
        pltpu.make_async_copy(ids_hbm.at[pl.ds(0, _L)],
                              idxs[b].at[pl.ds(0, _L)], sem_i[b]).wait()

    def pos_and_gather(b):
        carry = zeros
        for j in range(_NCH):
            v = idxs[b][pl.ds(j * 16, 16)]
            if j == _NCH - 1:
                v = jnp.where(lanes < _TAIL, v, zeros)
                idxs[b][pl.ds(j * 16, 16)] = v
            m = jnp.where(v != 0, ones, zeros)
            pidxs[b][pl.ds(j * 16, 16)] = (plsc.cumsum(m) + carry) * m
            carry = carry + lax.broadcast_in_dim(jnp.sum(m), (16,), ())
        for lo, n in ((0, 128), (128, _LP - 128)):
            sl = pl.ds(lo, n)
            pltpu.async_copy(ctab_s.at[idxs[b].at[sl]], cbufs[b].at[sl],
                             sem_g[b])
            pltpu.async_copy(ptab_s.at[pidxs[b].at[sl]], pbufs[b].at[sl],
                             sem_p[b])

    def wait_gathers(b):
        pltpu.make_async_copy(char_hbm.at[pl.ds(0, _LP)], cbufs[b],
                              sem_g[b]).wait()
        pltpu.make_async_copy(pos_hbm.at[pl.ds(0, _LP)], pbufs[b],
                              sem_p[b]).wait()

    def wait_out(b, row):
        pltpu.make_async_copy(cbufs[b].at[pl.ds(0, _L)],
                              out_hbm.at[row], sem_o[b]).wait()

    issue_ids(row0, 0).wait()
    issue_ids(row0 + 1, 1)
    pos_and_gather(0)

    def outer(o, acc):
        for par in range(2):
            i = o * 2 + par
            cur, nxt = par, 1 - par
            row = row0 + i

            @pl.when(i < _RW - 1)
            def _prep_next():
                wait_ids(nxt)

                @pl.when(i > 0)
                def _wait_prev_out():
                    wait_out(nxt, row)

                pos_and_gather(nxt)

            wait_gathers(cur)

            @pl.when(i < _RW - 2)
            def _issue_ids2():
                issue_ids(row + 2, cur)

            def add_body(r, a):
                for k in range(_D // 16):
                    sl = pl.ds(k * 16, 16)
                    plsc.addupdate(cbufs[cur].at[r, sl], pbufs[cur][r, sl])
                return a

            lax.fori_loop(0, _L, add_body, 0)
            pltpu.async_copy(cbufs[cur].at[pl.ds(0, _L)], out_hbm.at[row],
                             sem_o[cur])
        return acc

    lax.fori_loop(0, _RW // 2, outer, 0)
    wait_out(0, row0 + _RW - 2)
    wait_out(1, row0 + _RW - 1)


def kernel(input_ids, char_table, pos_table):
    return _embed_kernel(input_ids.reshape(-1), char_table, pos_table)

# --- scband reference (transcript-rebuilt; emitter-appended) ---
"""Pipeline reference for scband-character-embeddings-23639499997672 (READ-ONLY COPY).

The authoritative reference and input builder live on the scoring server;
editing this copy changes nothing except your own understanding.
"""

import jax, jax.numpy as jnp
import numpy as np

PAD = 0
VOCAB = 1000
MAX_SEQ = 256
DIM = 128
B, L = 1024, 200


def setup_inputs(seed: int = 0) -> dict:
    key = jax.random.key(seed)
    k1, k2, k3 = jax.random.split(key, 3)
    input_ids = jax.random.randint(k1, (B, L), 0, VOCAB, dtype=jnp.int32)
    char_table = jax.random.normal(k2, (VOCAB, DIM), dtype=jnp.float32) * 0.02
    char_table = char_table.at[PAD].set(0.0)
    pos_table = jax.random.normal(k3, (MAX_SEQ, DIM), dtype=jnp.float32) * 0.02
    pos_table = pos_table.at[PAD].set(0.0)
    return {"input_ids": input_ids, "char_table": char_table, "pos_table": pos_table}


def create_position_ids_from_input_ids(input_ids, padding_idx, past_key_values_length=0):
    mask = (input_ids != padding_idx).astype(jnp.int32)
    incremental_indices = (jnp.cumsum(mask, axis=1).astype(jnp.int32) + past_key_values_length) * mask
    return incremental_indices + padding_idx


def reference(input_ids, char_table, pos_table):
    character_embedding = jnp.take(char_table, input_ids, axis=0)
    position_ids = create_position_ids_from_input_ids(input_ids, PAD)
    position_embeddings = jnp.take(pos_table, position_ids, axis=0)
    embeddings = character_embedding + position_embeddings
    return embeddings

if __name__ == "__main__":
    import jax
    _d = setup_inputs()
    print(jax.jit(kernel)(*tuple(_d.values())))

</pallas_src>

<mosaic_0001>
#map = affine_map<(d0, d1) -> (0)>
#map1 = affine_map<(d0, d1) -> (0, 0)>
#map2 = affine_map<(d0, d1) -> (0, 0, 0)>
module attributes {stable_mosaic.version = 14 : i64} {
  func.func @_embed_kernel(%arg0: i32, %arg1: i32, %arg2: memref<204800xi32, #tpu.memory_space<hbm>>, %arg3: memref<1000x128xf32, #tpu.memory_space<hbm>>, %arg4: memref<256x128xf32, #tpu.memory_space<hbm>>, %arg5: memref<1024x200x128xf32, #tpu.memory_space<hbm>>, %arg6: memref<208xi32, #tpu.memory_space<vmem>>, %arg7: memref<208xi32, #tpu.memory_space<vmem>>, %arg8: memref<208xi32, #tpu.memory_space<vmem>>, %arg9: memref<208xi32, #tpu.memory_space<vmem>>, %arg10: memref<208x128xf32, #tpu.memory_space<vmem>>, %arg11: memref<208x128xf32, #tpu.memory_space<vmem>>, %arg12: memref<208x128xf32, #tpu.memory_space<vmem>>, %arg13: memref<208x128xf32, #tpu.memory_space<vmem>>, %arg14: memref<1000x128xf32, #tpu.memory_space<vmem_shared>>, %arg15: memref<256x128xf32, #tpu.memory_space<vmem_shared>>, %arg16: memref<!tpu.dma_semaphore, #tpu.memory_space<semaphore_mem>>, %arg17: memref<!tpu.dma_semaphore, #tpu.memory_space<semaphore_mem>>, %arg18: memref<!tpu.dma_semaphore, #tpu.memory_space<semaphore_mem>>, %arg19: memref<!tpu.dma_semaphore, #tpu.memory_space<semaphore_mem>>, %arg20: memref<!tpu.dma_semaphore, #tpu.memory_space<semaphore_mem>>, %arg21: memref<!tpu.dma_semaphore, #tpu.memory_space<semaphore_mem>>, %arg22: memref<!tpu.dma_semaphore, #tpu.memory_space<semaphore_mem>>, %arg23: memref<!tpu.dma_semaphore, #tpu.memory_space<semaphore_mem>>) attributes {dimension_semantics = [#tpu.dimension_semantics<core_parallel>, #tpu.dimension_semantics<subcore_parallel>], iteration_bounds = array<i64: 2, 16>, scalar_prefetch = 0 : i64, scratch_operands = 18 : i64, tpu.core_type = #tpu.core_type<sc_vector_subcore>, window_params = [{transform_indices = #map}, {transform_indices = #map1}, {transform_indices = #map1}, {transform_indices = #map2}]} {
    %mul3A = arith.constant 2 : i32
    %mul3A_0 = arith.muli %arg1, %mul3A : i32
    %add3A = arith.addi %mul3A_0, %arg0 : i32
    %mul3A_1 = arith.constant 32 : i32
    %mul3A_2 = arith.muli %add3A, %mul3A_1 : i32
    %iota3A = tpu.iota {dimensions = array<i32: 0>} : vector<16xi32>
    %broadcast_in_dim3A = arith.constant 1 : i32
    %broadcast_in_dim3A_3 = vector.broadcast %broadcast_in_dim3A : i32 to vector<16xi32>
    %broadcast_in_dim3A_4 = arith.constant 0 : i32
    %broadcast_in_dim3A_5 = vector.broadcast %broadcast_in_dim3A_4 : i32 to vector<16xi32>
    %eq3A = arith.constant 0 : i32
    %eq3A_6 = arith.cmpi eq, %arg1, %eq3A : i32
    %convert_element_type3A = arith.extui %eq3A_6 : i1 to i32
    %cond3A = arith.constant 0 : i32
    %cond3A_7 = arith.cmpi ne, %convert_element_type3A, %cond3A : i32
    scf.if %cond3A_7 {
      "tpu.region"() ({
        %run_scoped3A = tpu.sem_alloc : memref<!tpu.dma_semaphore, #tpu.memory_space<semaphore_mem>>
        tpu.enqueue_dma source(%arg3 : memref<1000x128xf32, #tpu.memory_space<hbm>>) target(%arg14 : memref<1000x128xf32, #tpu.memory_space<vmem_shared>>) target_semaphore(%run_scoped3A : memref<!tpu.dma_semaphore, #tpu.memory_space<semaphore_mem>>)
        tpu.wait_dma2 semaphore(%run_scoped3A : memref<!tpu.dma_semaphore, #tpu.memory_space<semaphore_mem>>) src(%arg3 : memref<1000x128xf32, #tpu.memory_space<hbm>>) dst(%arg14 : memref<1000x128xf32, #tpu.memory_space<vmem_shared>>)
        tpu.yield
      }) : () -> ()
    } else {
    }
    %eq3A_8 = arith.constant 1 : i32
    %eq3A_9 = arith.cmpi eq, %arg1, %eq3A_8 : i32
    %convert_element_type3A_10 = arith.extui %eq3A_9 : i1 to i32
    %cond3A_11 = arith.constant 0 : i32
    %cond3A_12 = arith.cmpi ne, %convert_element_type3A_10, %cond3A_11 : i32
    scf.if %cond3A_12 {
      "tpu.region"() ({
        %run_scoped3A = tpu.sem_alloc : memref<!tpu.dma_semaphore, #tpu.memory_space<semaphore_mem>>
        tpu.enqueue_dma source(%arg4 : memref<256x128xf32, #tpu.memory_space<hbm>>) target(%arg15 : memref<256x128xf32, #tpu.memory_space<vmem_shared>>) target_semaphore(%run_scoped3A : memref<!tpu.dma_semaphore, #tpu.memory_space<semaphore_mem>>)
        tpu.wait_dma2 semaphore(%run_scoped3A : memref<!tpu.dma_semaphore, #tpu.memory_space<semaphore_mem>>) src(%arg4 : memref<256x128xf32, #tpu.memory_space<hbm>>) dst(%arg15 : memref<256x128xf32, #tpu.memory_space<vmem_shared>>)
        tpu.yield
      }) : () -> ()
    } else {
    }
    %barrier3A = arith.constant 0 : index
    tpu.barrier barrier_id(%barrier3A)
    %mul3A_13 = arith.constant 200 : i32
    %mul3A_14 = arith.muli %mul3A_2, %mul3A_13 : i32
    %dma_start3A = arith.constant 0 : i32
    %dma_start3A_15 = tpu.memref_slice %arg6[%dma_start3A] : memref<208xi32, #tpu.memory_space<vmem>> -> memref<200xi32, #tpu.memory_space<vmem>>
    %dma_start3A_16 = tpu.memref_slice %arg2[%mul3A_14] : memref<204800xi32, #tpu.memory_space<hbm>> -> memref<200xi32, #tpu.memory_space<hbm>>
    %dma_start3A_17 = arith.constant 0 : i32
    %dma_start3A_18 = tpu.memref_slice %arg6[%dma_start3A_17] : memref<208xi32, #tpu.memory_space<vmem>> -> memref<200xi32, #tpu.memory_space<vmem>>
    %dma_start3A_19 = tpu.memref_slice %arg2[%mul3A_14] : memref<204800xi32, #tpu.memory_space<hbm>> -> memref<200xi32, #tpu.memory_space<hbm>>
    tpu.enqueue_dma source(%dma_start3A_19 : memref<200xi32, #tpu.memory_space<hbm>>) target(%dma_start3A_18 : memref<200xi32, #tpu.memory_space<vmem>>) target_semaphore(%arg16 : memref<!tpu.dma_semaphore, #tpu.memory_space<semaphore_mem>>)
    %dma_wait3A = arith.constant 0 : i32
    %dma_wait3A_20 = tpu.memref_slice %arg6[%dma_wait3A] : memref<208xi32, #tpu.memory_space<vmem>> -> memref<200xi32, #tpu.memory_space<vmem>>
    %dma_wait3A_21 = tpu.memref_slice %arg2[%mul3A_14] : memref<204800xi32, #tpu.memory_space<hbm>> -> memref<200xi32, #tpu.memory_space<hbm>>
    %dma_wait3A_22 = arith.constant 0 : i32
    %dma_wait3A_23 = tpu.memref_slice %arg6[%dma_wait3A_22] : memref<208xi32, #tpu.memory_space<vmem>> -> memref<200xi32, #tpu.memory_space<vmem>>
    %dma_wait3A_24 = tpu.memref_slice %arg2[%mul3A_14] : memref<204800xi32, #tpu.memory_space<hbm>> -> memref<200xi32, #tpu.memory_space<hbm>>
    tpu.wait_dma2 semaphore(%arg16 : memref<!tpu.dma_semaphore, #tpu.memory_space<semaphore_mem>>) src(%dma_wait3A_24 : memref<200xi32, #tpu.memory_space<hbm>>) dst(%dma_wait3A_23 : memref<200xi32, #tpu.memory_space<vmem>>)
    %add3A_25 = arith.constant 1 : i32
    %add3A_26 = arith.addi %mul3A_2, %add3A_25 : i32
    %mul3A_27 = arith.constant 200 : i32
    %mul3A_28 = arith.muli %add3A_26, %mul3A_27 : i32
    %dma_start3A_29 = arith.constant 0 : i32
    %dma_start3A_30 = tpu.memref_slice %arg7[%dma_start3A_29] : memref<208xi32, #tpu.memory_space<vmem>> -> memref<200xi32, #tpu.memory_space<vmem>>
    %dma_start3A_31 = tpu.memref_slice %arg2[%mul3A_28] : memref<204800xi32, #tpu.memory_space<hbm>> -> memref<200xi32, #tpu.memory_space<hbm>>
    %dma_start3A_32 = arith.constant 0 : i32
    %dma_start3A_33 = tpu.memref_slice %arg7[%dma_start3A_32] : memref<208xi32, #tpu.memory_space<vmem>> -> memref<200xi32, #tpu.memory_space<vmem>>
    %dma_start3A_34 = tpu.memref_slice %arg2[%mul3A_28] : memref<204800xi32, #tpu.memory_space<hbm>> -> memref<200xi32, #tpu.memory_space<hbm>>
    tpu.enqueue_dma source(%dma_start3A_34 : memref<200xi32, #tpu.memory_space<hbm>>) target(%dma_start3A_33 : memref<200xi32, #tpu.memory_space<vmem>>) target_semaphore(%arg17 : memref<!tpu.dma_semaphore, #tpu.memory_space<semaphore_mem>>)
    %get3A = arith.constant 0 : index
    %get3A_35 = tpu.vector_load %arg6[%get3A] {strides = array<i32>} : memref<208xi32, #tpu.memory_space<vmem>>, vector<16xi32>,
    %ne3A = arith.constant 0 : i32
    %ne3A_36 = vector.broadcast %ne3A : i32 to vector<16xi32>
    %ne3A_37 = arith.cmpi ne, %get3A_35, %ne3A_36 : vector<16xi32>
    %select_n3A = arith.select %ne3A_37, %broadcast_in_dim3A_3, %broadcast_in_dim3A_5 : vector<16xi1>, vector<16xi32>
    %broadcast_in_dim3A_38 = arith.constant true
    %broadcast_in_dim3A_39 = vector.broadcast %broadcast_in_dim3A_38 : i1 to vector<16xi1>
    %masked_cumsum3A = tpu.scan <sum>, %select_n3A masked %broadcast_in_dim3A_39 : vector<16xi32>, vector<16xi1> -> vector<16xi32>
    %add3A_40 = arith.addi %masked_cumsum3A, %broadcast_in_dim3A_5 : vector<16xi32>
    %mul3A_41 = arith.muli %add3A_40, %select_n3A : vector<16xi32>
    %swap3A = arith.constant 0 : index
    %swap3A_42 = tpu.vector_load %arg8[%swap3A] {strides = array<i32>} : memref<208xi32, #tpu.memory_space<vmem>>, vector<16xi32>,
    tpu.vector_store %arg8[%swap3A], %mul3A_41 {strides = array<i32>} : memref<208xi32, #tpu.memory_space<vmem>>, vector<16xi32>,
    %reduce_sum3A = arith.constant true
    %reduce_sum3A_43 = vector.broadcast %reduce_sum3A : i1 to vector<16xi1>
    %reduce_sum3A_44 = tpu.scan <sum>, %select_n3A masked %reduce_sum3A_43 : vector<16xi32>, vector<16xi1> -> vector<16xi32>
    %reduce_sum3A_45 = vector.extract %reduce_sum3A_44[15] : i32 from vector<16xi32>
    %broadcast_in_dim3A_46 = vector.broadcast %reduce_sum3A_45 : i32 to vector<16xi32>
    %add3A_47 = arith.addi %broadcast_in_dim3A_5, %broadcast_in_dim3A_46 : vector<16xi32>
    %get3A_48 = arith.constant 16 : index
    %get3A_49 = tpu.vector_load %arg6[%get3A_48] {strides = array<i32>} : memref<208xi32, #tpu.memory_space<vmem>>, vector<16xi32>,
    %ne3A_50 = arith.constant 0 : i32
    %ne3A_51 = vector.broadcast %ne3A_50 : i32 to vector<16xi32>
    %ne3A_52 = arith.cmpi ne, %get3A_49, %ne3A_51 : vector<16xi32>
    %select_n3A_53 = arith.select %ne3A_52, %broadcast_in_dim3A_3, %broadcast_in_dim3A_5 : vector<16xi1>, vector<16xi32>
    %broadcast_in_dim3A_54 = arith.constant true
    %broadcast_in_dim3A_55 = vector.broadcast %broadcast_in_dim3A_54 : i1 to vector<16xi1>
    %masked_cumsum3A_56 = tpu.scan <sum>, %select_n3A_53 masked %broadcast_in_dim3A_55 : vector<16xi32>, vector<16xi1> -> vector<16xi32>
    %add3A_57 = arith.addi %masked_cumsum3A_56, %add3A_47 : vector<16xi32>
    %mul3A_58 = arith.muli %add3A_57, %select_n3A_53 : vector<16xi32>
    %swap3A_59 = arith.constant 16 : index
    %swap3A_60 = tpu.vector_load %arg8[%swap3A_59] {strides = array<i32>} : memref<208xi32, #tpu.memory_space<vmem>>, vector<16xi32>,
    tpu.vector_store %arg8[%swap3A_59], %mul3A_58 {strides = array<i32>} : memref<208xi32, #tpu.memory_space<vmem>>, vector<16xi32>,
    %reduce_sum3A_61 = arith.constant true
    %reduce_sum3A_62 = vector.broadcast %reduce_sum3A_61 : i1 to vector<16xi1>
    %reduce_sum3A_63 = tpu.scan <sum>, %select_n3A_53 masked %reduce_sum3A_62 : vector<16xi32>, vector<16xi1> -> vector<16xi32>
    %reduce_sum3A_64 = vector.extract %reduce_sum3A_63[15] : i32 from vector<16xi32>
    %broadcast_in_dim3A_65 = vector.broadcast %reduce_sum3A_64 : i32 to vector<16xi32>
    %add3A_66 = arith.addi %add3A_47, %broadcast_in_dim3A_65 : vector<16xi32>
    %get3A_67 = arith.constant 32 : index
    %get3A_68 = tpu.vector_load %arg6[%get3A_67] {strides = array<i32>} : memref<208xi32, #tpu.memory_space<vmem>>, vector<16xi32>,
    %ne3A_69 = arith.constant 0 : i32
    %ne3A_70 = vector.broadcast %ne3A_69 : i32 to vector<16xi32>
    %ne3A_71 = arith.cmpi ne, %get3A_68, %ne3A_70 : vector<16xi32>
    %select_n3A_72 = arith.select %ne3A_71, %broadcast_in_dim3A_3, %broadcast_in_dim3A_5 : vector<16xi1>, vector<16xi32>
    %broadcast_in_dim3A_73 = arith.constant true
    %broadcast_in_dim3A_74 = vector.broadcast %broadcast_in_dim3A_73 : i1 to vector<16xi1>
    %masked_cumsum3A_75 = tpu.scan <sum>, %select_n3A_72 masked %broadcast_in_dim3A_74 : vector<16xi32>, vector<16xi1> -> vector<16xi32>
    %add3A_76 = arith.addi %masked_cumsum3A_75, %add3A_66 : vector<16xi32>
    %mul3A_77 = arith.muli %add3A_76, %select_n3A_72 : vector<16xi32>
    %swap3A_78 = arith.constant 32 : index
    %swap3A_79 = tpu.vector_load %arg8[%swap3A_78] {strides = array<i32>} : memref<208xi32, #tpu.memory_space<vmem>>, vector<16xi32>,
    tpu.vector_store %arg8[%swap3A_78], %mul3A_77 {strides = array<i32>} : memref<208xi32, #tpu.memory_space<vmem>>, vector<16xi32>,
    %reduce_sum3A_80 = arith.constant true
    %reduce_sum3A_81 = vector.broadcast %reduce_sum3A_80 : i1 to vector<16xi1>
    %reduce_sum3A_82 = tpu.scan <sum>, %select_n3A_72 masked %reduce_sum3A_81 : vector<16xi32>, vector<16xi1> -> vector<16xi32>
    %reduce_sum3A_83 = vector.extract %reduce_sum3A_82[15] : i32 from vector<16xi32>
    %broadcast_in_dim3A_84 = vector.broadcast %reduce_sum3A_83 : i32 to vector<16xi32>
    %add3A_85 = arith.addi %add3A_66, %broadcast_in_dim3A_84 : vector<16xi32>
    %get3A_86 = arith.constant 48 : index
    %get3A_87 = tpu.vector_load %arg6[%get3A_86] {strides = array<i32>} : memref<208xi32, #tpu.memory_space<vmem>>, vector<16xi32>,
    %ne3A_88 = arith.constant 0 : i32
    %ne3A_89 = vector.broadcast %ne3A_88 : i32 to vector<16xi32>
    %ne3A_90 = arith.cmpi ne, %get3A_87, %ne3A_89 : vector<16xi32>
    %select_n3A_91 = arith.select %ne3A_90, %broadcast_in_dim3A_3, %broadcast_in_dim3A_5 : vector<16xi1>, vector<16xi32>
    %broadcast_in_dim3A_92 = arith.constant true
    %broadcast_in_dim3A_93 = vector.broadcast %broadcast_in_dim3A_92 : i1 to vector<16xi1>
    %masked_cumsum3A_94 = tpu.scan <sum>, %select_n3A_91 masked %broadcast_in_dim3A_93 : vector<16xi32>, vector<16xi1> -> vector<16xi32>
    %add3A_95 = arith.addi %masked_cumsum3A_94, %add3A_85 : vector<16xi32>
    %mul3A_96 = arith.muli %add3A_95, %select_n3A_91 : vector<16xi32>
    %swap3A_97 = arith.constant 48 : index
    %swap3A_98 = tpu.vector_load %arg8[%swap3A_97] {strides = array<i32>} : memref<208xi32, #tpu.memory_space<vmem>>, vector<16xi32>,
    tpu.vector_store %arg8[%swap3A_97], %mul3A_96 {strides = array<i32>} : memref<208xi32, #tpu.memory_space<vmem>>, vector<16xi32>,
    %reduce_sum3A_99 = arith.constant true
    %reduce_sum3A_100 = vector.broadcast %reduce_sum3A_99 : i1 to vector<16xi1>
    %reduce_sum3A_101 = tpu.scan <sum>, %select_n3A_91 masked %reduce_sum3A_100 : vector<16xi32>, vector<16xi1> -> vector<16xi32>
    %reduce_sum3A_102 = vector.extract %reduce_sum3A_101[15] : i32 from vector<16xi32>
    %broadcast_in_dim3A_103 = vector.broadcast %reduce_sum3A_102 : i32 to vector<16xi32>
    %add3A_104 = arith.addi %add3A_85, %broadcast_in_dim3A_103 : vector<16xi32>
    %get3A_105 = arith.constant 64 : index
    %get3A_106 = tpu.vector_load %arg6[%get3A_105] {strides = array<i32>} : memref<208xi32, #tpu.memory_space<vmem>>, vector<16xi32>,
    %ne3A_107 = arith.constant 0 : i32
    %ne3A_108 = vector.broadcast %ne3A_107 : i32 to vector<16xi32>
    %ne3A_109 = arith.cmpi ne, %get3A_106, %ne3A_108 : vector<16xi32>
    %select_n3A_110 = arith.select %ne3A_109, %broadcast_in_dim3A_3, %broadcast_in_dim3A_5 : vector<16xi1>, vector<16xi32>
    %broadcast_in_dim3A_111 = arith.constant true
    %broadcast_in_dim3A_112 = vector.broadcast %broadcast_in_dim3A_111 : i1 to vector<16xi1>
    %masked_cumsum3A_113 = tpu.scan <sum>, %select_n3A_110 masked %broadcast_in_dim3A_112 : vector<16xi32>, vector<16xi1> -> vector<16xi32>
    %add3A_114 = arith.addi %masked_cumsum3A_113, %add3A_104 : vector<16xi32>
    %mul3A_115 = arith.muli %add3A_114, %select_n3A_110 : vector<16xi32>
    %swap3A_116 = arith.constant 64 : index
    %swap3A_117 = tpu.vector_load %arg8[%swap3A_116] {strides = array<i32>} : memref<208xi32, #tpu.memory_space<vmem>>, vector<16xi32>,
    tpu.vector_store %arg8[%swap3A_116], %mul3A_115 {strides = array<i32>} : memref<208xi32, #tpu.memory_space<vmem>>, vector<16xi32>,
    %reduce_sum3A_118 = arith.constant true
    %reduce_sum3A_119 = vector.broadcast %reduce_sum3A_118 : i1 to vector<16xi1>
    %reduce_sum3A_120 = tpu.scan <sum>, %select_n3A_110 masked %reduce_sum3A_119 : vector<16xi32>, vector<16xi1> -> vector<16xi32>
    %reduce_sum3A_121 = vector.extract %reduce_sum3A_120[15] : i32 from vector<16xi32>
    %broadcast_in_dim3A_122 = vector.broadcast %reduce_sum3A_121 : i32 to vector<16xi32>
    %add3A_123 = arith.addi %add3A_104, %broadcast_in_dim3A_122 : vector<16xi32>
    %get3A_124 = arith.constant 80 : index
    %get3A_125 = tpu.vector_load %arg6[%get3A_124] {strides = array<i32>} : memref<208xi32, #tpu.memory_space<vmem>>, vector<16xi32>,
    %ne3A_126 = arith.constant 0 : i32
    %ne3A_127 = vector.broadcast %ne3A_126 : i32 to vector<16xi32>
    %ne3A_128 = arith.cmpi ne, %get3A_125, %ne3A_127 : vector<16xi32>
    %select_n3A_129 = arith.select %ne3A_128, %broadcast_in_dim3A_3, %broadcast_in_dim3A_5 : vector<16xi1>, vector<16xi32>
    %broadcast_in_dim3A_130 = arith.constant true
    %broadcast_in_dim3A_131 = vector.broadcast %broadcast_in_dim3A_130 : i1 to vector<16xi1>
    %masked_cumsum3A_132 = tpu.scan <sum>, %select_n3A_129 masked %broadcast_in_dim3A_131 : vector<16xi32>, vector<16xi1> -> vector<16xi32>
    %add3A_133 = arith.addi %masked_cumsum3A_132, %add3A_123 : vector<16xi32>
    %mul3A_134 = arith.muli %add3A_133, %select_n3A_129 : vector<16xi32>
    %swap3A_135 = arith.constant 80 : index
    %swap3A_136 = tpu.vector_load %arg8[%swap3A_135] {strides = array<i32>} : memref<208xi32, #tpu.memory_space<vmem>>, vector<16xi32>,
    tpu.vector_store %arg8[%swap3A_135], %mul3A_134 {strides = array<i32>} : memref<208xi32, #tpu.memory_space<vmem>>, vector<16xi32>,
    %reduce_sum3A_137 = arith.constant true
    %reduce_sum3A_138 = vector.broadcast %reduce_sum3A_137 : i1 to vector<16xi1>
    %reduce_sum3A_139 = tpu.scan <sum>, %select_n3A_129 masked %reduce_sum3A_138 : vector<16xi32>, vector<16xi1> -> vector<16xi32>
    %reduce_sum3A_140 = vector.extract %reduce_sum3A_139[15] : i32 from vector<16xi32>
    %broadcast_in_dim3A_141 = vector.broadcast %reduce_sum3A_140 : i32 to vector<16xi32>
    %add3A_142 = arith.addi %add3A_123, %broadcast_in_dim3A_141 : vector<16xi32>
    %get3A_143 = arith.constant 96 : index
    %get3A_144 = tpu.vector_load %arg6[%get3A_143] {strides = array<i32>} : memref<208xi32, #tpu.memory_space<vmem>>, vector<16xi32>,
    %ne3A_145 = arith.constant 0 : i32
    %ne3A_146 = vector.broadcast %ne3A_145 : i32 to vector<16xi32>
    %ne3A_147 = arith.cmpi ne, %get3A_144, %ne3A_146 : vector<16xi32>
    %select_n3A_148 = arith.select %ne3A_147, %broadcast_in_dim3A_3, %broadcast_in_dim3A_5 : vector<16xi1>, vector<16xi32>
    %broadcast_in_dim3A_149 = arith.constant true
    %broadcast_in_dim3A_150 = vector.broadcast %broadcast_in_dim3A_149 : i1 to vector<16xi1>
    %masked_cumsum3A_151 = tpu.scan <sum>, %select_n3A_148 masked %broadcast_in_dim3A_150 : vector<16xi32>, vector<16xi1> -> vector<16xi32>
    %add3A_152 = arith.addi %masked_cumsum3A_151, %add3A_142 : vector<16xi32>
    %mul3A_153 = arith.muli %add3A_152, %select_n3A_148 : vector<16xi32>
    %swap3A_154 = arith.constant 96 : index
    %swap3A_155 = tpu.vector_load %arg8[%swap3A_154] {strides = array<i32>} : memref<208xi32, #tpu.memory_space<vmem>>, vector<16xi32>,
    tpu.vector_store %arg8[%swap3A_154], %mul3A_153 {strides = array<i32>} : memref<208xi32, #tpu.memory_space<vmem>>, vector<16xi32>,
    %reduce_sum3A_156 = arith.constant true
    %reduce_sum3A_157 = vector.broadcast %reduce_sum3A_156 : i1 to vector<16xi1>
    %reduce_sum3A_158 = tpu.scan <sum>, %select_n3A_148 masked %reduce_sum3A_157 : vector<16xi32>, vector<16xi1> -> vector<16xi32>
    %reduce_sum3A_159 = vector.extract %reduce_sum3A_158[15] : i32 from vector<16xi32>
    %broadcast_in_dim3A_160 = vector.broadcast %reduce_sum3A_159 : i32 to vector<16xi32>
    %add3A_161 = arith.addi %add3A_142, %broadcast_in_dim3A_160 : vector<16xi32>
    %get3A_162 = arith.constant 112 : index
    %get3A_163 = tpu.vector_load %arg6[%get3A_162] {strides = array<i32>} : memref<208xi32, #tpu.memory_space<vmem>>, vector<16xi32>,
    %ne3A_164 = arith.constant 0 : i32
    %ne3A_165 = vector.broadcast %ne3A_164 : i32 to vector<16xi32>
    %ne3A_166 = arith.cmpi ne, %get3A_163, %ne3A_165 : vector<16xi32>
    %select_n3A_167 = arith.select %ne3A_166, %broadcast_in_dim3A_3, %broadcast_in_dim3A_5 : vector<16xi1>, vector<16xi32>
    %broadcast_in_dim3A_168 = arith.constant true
    %broadcast_in_dim3A_169 = vector.broadcast %broadcast_in_dim3A_168 : i1 to vector<16xi1>
    %masked_cumsum3A_170 = tpu.scan <sum>, %select_n3A_167 masked %broadcast_in_dim3A_169 : vector<16xi32>, vector<16xi1> -> vector<16xi32>
    %add3A_171 = arith.addi %masked_cumsum3A_170, %add3A_161 : vector<16xi32>
    %mul3A_172 = arith.muli %add3A_171, %select_n3A_167 : vector<16xi32>
    %swap3A_173 = arith.constant 112 : index
    %swap3A_174 = tpu.vector_load %arg8[%swap3A_173] {strides = array<i32>} : memref<208xi32, #tpu.memory_space<vmem>>, vector<16xi32>,
    tpu.vector_store %arg8[%swap3A_173], %mul3A_172 {strides = array<i32>} : memref<208xi32, #tpu.memory_space<vmem>>, vector<16xi32>,
    %reduce_sum3A_175 = arith.constant true
    %reduce_sum3A_176 = vector.broadcast %reduce_sum3A_175 : i1 to vector<16xi1>
    %reduce_sum3A_177 = tpu.scan <sum>, %select_n3A_167 masked %reduce_sum3A_176 : vector<16xi32>, vector<16xi1> -> vector<16xi32>
    %reduce_sum3A_178 = vector.extract %reduce_sum3A_177[15] : i32 from vector<16xi32>
    %broadcast_in_dim3A_179 = vector.broadcast %reduce_sum3A_178 : i32 to vector<16xi32>
    %add3A_180 = arith.addi %add3A_161, %broadcast_in_dim3A_179 : vector<16xi32>
    %get3A_181 = arith.constant 128 : index
    %get3A_182 = tpu.vector_load %arg6[%get3A_181] {strides = array<i32>} : memref<208xi32, #tpu.memory_space<vmem>>, vector<16xi32>,
    %ne3A_183 = arith.constant 0 : i32
    %ne3A_184 = vector.broadcast %ne3A_183 : i32 to vector<16xi32>
    %ne3A_185 = arith.cmpi ne, %get3A_182, %ne3A_184 : vector<16xi32>
    %select_n3A_186 = arith.select %ne3A_185, %broadcast_in_dim3A_3, %broadcast_in_dim3A_5 : vector<16xi1>, vector<16xi32>
    %broadcast_in_dim3A_187 = arith.constant true
    %broadcast_in_dim3A_188 = vector.broadcast %broadcast_in_dim3A_187 : i1 to vector<16xi1>
    %masked_cumsum3A_189 = tpu.scan <sum>, %select_n3A_186 masked %broadcast_in_dim3A_188 : vector<16xi32>, vector<16xi1> -> vector<16xi32>
    %add3A_190 = arith.addi %masked_cumsum3A_189, %add3A_180 : vector<16xi32>
    %mul3A_191 = arith.muli %add3A_190, %select_n3A_186 : vector<16xi32>
    %swap3A_192 = arith.constant 128 : index
    %swap3A_193 = tpu.vector_load %arg8[%swap3A_192] {strides = array<i32>} : memref<208xi32, #tpu.memory_space<vmem>>, vector<16xi32>,
    tpu.vector_store %arg8[%swap3A_192], %mul3A_191 {strides = array<i32>} : memref<208xi32, #tpu.memory_space<vmem>>, vector<16xi32>,
    %reduce_sum3A_194 = arith.constant true
    %reduce_sum3A_195 = vector.broadcast %reduce_sum3A_194 : i1 to vector<16xi1>
    %reduce_sum3A_196 = tpu.scan <sum>, %select_n3A_186 masked %reduce_sum3A_195 : vector<16xi32>, vector<16xi1> -> vector<16xi32>
    %reduce_sum3A_197 = vector.extract %reduce_sum3A_196[15] : i32 from vector<16xi32>
    %broadcast_in_dim3A_198 = vector.broadcast %reduce_sum3A_197 : i32 to vector<16xi32>
    %add3A_199 = arith.addi %add3A_180, %broadcast_in_dim3A_198 : vector<16xi32>
    %get3A_200 = arith.constant 144 : index
    %get3A_201 = tpu.vector_load %arg6[%get3A_200] {strides = array<i32>} : memref<208xi32, #tpu.memory_space<vmem>>, vector<16xi32>,
    %ne3A_202 = arith.constant 0 : i32
    %ne3A_203 = vector.broadcast %ne3A_202 : i32 to vector<16xi32>
    %ne3A_204 = arith.cmpi ne, %get3A_201, %ne3A_203 : vector<16xi32>
    %select_n3A_205 = arith.select %ne3A_204, %broadcast_in_dim3A_3, %broadcast_in_dim3A_5 : vector<16xi1>, vector<16xi32>
    %broadcast_in_dim3A_206 = arith.constant true
    %broadcast_in_dim3A_207 = vector.broadcast %broadcast_in_dim3A_206 : i1 to vector<16xi1>
    %masked_cumsum3A_208 = tpu.scan <sum>, %select_n3A_205 masked %broadcast_in_dim3A_207 : vector<16xi32>, vector<16xi1> -> vector<16xi32>
    %add3A_209 = arith.addi %masked_cumsum3A_208, %add3A_199 : vector<16xi32>
    %mul3A_210 = arith.muli %add3A_209, %select_n3A_205 : vector<16xi32>
    %swap3A_211 = arith.constant 144 : index
    %swap3A_212 = tpu.vector_load %arg8[%swap3A_211] {strides = array<i32>} : memref<208xi32, #tpu.memory_space<vmem>>, vector<16xi32>,
    tpu.vector_store %arg8[%swap3A_211], %mul3A_210 {strides = array<i32>} : memref<208xi32, #tpu.memory_space<vmem>>, vector<16xi32>,
    %reduce_sum3A_213 = arith.constant true
    %reduce_sum3A_214 = vector.broadcast %reduce_sum3A_213 : i1 to vector<16xi1>
    %reduce_sum3A_215 = tpu.scan <sum>, %select_n3A_205 masked %reduce_sum3A_214 : vector<16xi32>, vector<16xi1> -> vector<16xi32>
    %reduce_sum3A_216 = vector.extract %reduce_sum3A_215[15] : i32 from vector<16xi32>
    %broadcast_in_dim3A_217 = vector.broadcast %reduce_sum3A_216 : i32 to vector<16xi32>
    %add3A_218 = arith.addi %add3A_199, %broadcast_in_dim3A_217 : vector<16xi32>
    %get3A_219 = arith.constant 160 : index
    %get3A_220 = tpu.vector_load %arg6[%get3A_219] {strides = array<i32>} : memref<208xi32, #tpu.memory_space<vmem>>, vector<16xi32>,
    %ne3A_221 = arith.constant 0 : i32
    %ne3A_222 = vector.broadcast %ne3A_221 : i32 to vector<16xi32>
    %ne3A_223 = arith.cmpi ne, %get3A_220, %ne3A_222 : vector<16xi32>
    %select_n3A_224 = arith.select %ne3A_223, %broadcast_in_dim3A_3, %broadcast_in_dim3A_5 : vector<16xi1>, vector<16xi32>
    %broadcast_in_dim3A_225 = arith.constant true
    %broadcast_in_dim3A_226 = vector.broadcast %broadcast_in_dim3A_225 : i1 to vector<16xi1>
    %masked_cumsum3A_227 = tpu.scan <sum>, %select_n3A_224 masked %broadcast_in_dim3A_226 : vector<16xi32>, vector<16xi1> -> vector<16xi32>
    %add3A_228 = arith.addi %masked_cumsum3A_227, %add3A_218 : vector<16xi32>
    %mul3A_229 = arith.muli %add3A_228, %select_n3A_224 : vector<16xi32>
    %swap3A_230 = arith.constant 160 : index
    %swap3A_231 = tpu.vector_load %arg8[%swap3A_230] {strides = array<i32>} : memref<208xi32, #tpu.memory_space<vmem>>, vector<16xi32>,
    tpu.vector_store %arg8[%swap3A_230], %mul3A_229 {strides = array<i32>} : memref<208xi32, #tpu.memory_space<vmem>>, vector<16xi32>,
    %reduce_sum3A_232 = arith.constant true
    %reduce_sum3A_233 = vector.broadcast %reduce_sum3A_232 : i1 to vector<16xi1>
    %reduce_sum3A_234 = tpu.scan <sum>, %select_n3A_224 masked %reduce_sum3A_233 : vector<16xi32>, vector<16xi1> -> vector<16xi32>
    %reduce_sum3A_235 = vector.extract %reduce_sum3A_234[15] : i32 from vector<16xi32>
    %broadcast_in_dim3A_236 = vector.broadcast %reduce_sum3A_235 : i32 to vector<16xi32>
    %add3A_237 = arith.addi %add3A_218, %broadcast_in_dim3A_236 : vector<16xi32>
    %get3A_238 = arith.constant 176 : index
    %get3A_239 = tpu.vector_load %arg6[%get3A_238] {strides = array<i32>} : memref<208xi32, #tpu.memory_space<vmem>>, vector<16xi32>,
    %ne3A_240 = arith.constant 0 : i32
    %ne3A_241 = vector.broadcast %ne3A_240 : i32 to vector<16xi32>
    %ne3A_242 = arith.cmpi ne, %get3A_239, %ne3A_241 : vector<16xi32>
    %select_n3A_243 = arith.select %ne3A_242, %broadcast_in_dim3A_3, %broadcast_in_dim3A_5 : vector<16xi1>, vector<16xi32>
    %broadcast_in_dim3A_244 = arith.constant true
    %broadcast_in_dim3A_245 = vector.broadcast %broadcast_in_dim3A_244 : i1 to vector<16xi1>
    %masked_cumsum3A_246 = tpu.scan <sum>, %select_n3A_243 masked %broadcast_in_dim3A_245 : vector<16xi32>, vector<16xi1> -> vector<16xi32>
    %add3A_247 = arith.addi %masked_cumsum3A_246, %add3A_237 : vector<16xi32>
    %mul3A_248 = arith.muli %add3A_247, %select_n3A_243 : vector<16xi32>
    %swap3A_249 = arith.constant 176 : index
    %swap3A_250 = tpu.vector_load %arg8[%swap3A_249] {strides = array<i32>} : memref<208xi32, #tpu.memory_space<vmem>>, vector<16xi32>,
    tpu.vector_store %arg8[%swap3A_249], %mul3A_248 {strides = array<i32>} : memref<208xi32, #tpu.memory_space<vmem>>, vector<16xi32>,
    %reduce_sum3A_251 = arith.constant true
    %reduce_sum3A_252 = vector.broadcast %reduce_sum3A_251 : i1 to vector<16xi1>
    %reduce_sum3A_253 = tpu.scan <sum>, %select_n3A_243 masked %reduce_sum3A_252 : vector<16xi32>, vector<16xi1> -> vector<16xi32>
    %reduce_sum3A_254 = vector.extract %reduce_sum3A_253[15] : i32 from vector<16xi32>
    %broadcast_in_dim3A_255 = vector.broadcast %reduce_sum3A_254 : i32 to vector<16xi32>
    %add3A_256 = arith.addi %add3A_237, %broadcast_in_dim3A_255 : vector<16xi32>
    %get3A_257 = arith.constant 192 : index
    %get3A_258 = tpu.vector_load %arg6[%get3A_257] {strides = array<i32>} : memref<208xi32, #tpu.memory_space<vmem>>, vector<16xi32>,
    %lt3A = arith.constant 8 : i32
    %lt3A_259 = vector.broadcast %lt3A : i32 to vector<16xi32>
    %lt3A_260 = arith.cmpi slt, %iota3A, %lt3A_259 : vector<16xi32>
    %select_n3A_261 = arith.select %lt3A_260, %get3A_258, %broadcast_in_dim3A_5 : vector<16xi1>, vector<16xi32>
    %swap3A_262 = arith.constant 192 : index
    %swap3A_263 = tpu.vector_load %arg6[%swap3A_262] {strides = array<i32>} : memref<208xi32, #tpu.memory_space<vmem>>, vector<16xi32>,
    tpu.vector_store %arg6[%swap3A_262], %select_n3A_261 {strides = array<i32>} : memref<208xi32, #tpu.memory_space<vmem>>, vector<16xi32>,
    %ne3A_264 = arith.constant 0 : i32
    %ne3A_265 = vector.broadcast %ne3A_264 : i32 to vector<16xi32>
    %ne3A_266 = arith.cmpi ne, %select_n3A_261, %ne3A_265 : vector<16xi32>
    %select_n3A_267 = arith.select %ne3A_266, %broadcast_in_dim3A_3, %broadcast_in_dim3A_5 : vector<16xi1>, vector<16xi32>
    %broadcast_in_dim3A_268 = arith.constant true
    %broadcast_in_dim3A_269 = vector.broadcast %broadcast_in_dim3A_268 : i1 to vector<16xi1>
    %masked_cumsum3A_270 = tpu.scan <sum>, %select_n3A_267 masked %broadcast_in_dim3A_269 : vector<16xi32>, vector<16xi1> -> vector<16xi32>
    %add3A_271 = arith.addi %masked_cumsum3A_270, %add3A_256 : vector<16xi32>
    %mul3A_272 = arith.muli %add3A_271, %select_n3A_267 : vector<16xi32>
    %swap3A_273 = arith.constant 192 : index
    %swap3A_274 = tpu.vector_load %arg8[%swap3A_273] {strides = array<i32>} : memref<208xi32, #tpu.memory_space<vmem>>, vector<16xi32>,
    tpu.vector_store %arg8[%swap3A_273], %mul3A_272 {strides = array<i32>} : memref<208xi32, #tpu.memory_space<vmem>>, vector<16xi32>,
    %reduce_sum3A_275 = arith.constant true
    %reduce_sum3A_276 = vector.broadcast %reduce_sum3A_275 : i1 to vector<16xi1>
    %reduce_sum3A_277 = tpu.scan <sum>, %select_n3A_267 masked %reduce_sum3A_276 : vector<16xi32>, vector<16xi1> -> vector<16xi32>
    %reduce_sum3A_278 = vector.extract %reduce_sum3A_277[15] : i32 from vector<16xi32>
    %broadcast_in_dim3A_279 = vector.broadcast %reduce_sum3A_278 : i32 to vector<16xi32>
    %add3A_280 = arith.addi %add3A_256, %broadcast_in_dim3A_279 : vector<16xi32>
    %dma_start3A_281 = arith.constant 0 : i32
    %dma_start3A_282 = arith.constant 0 : i32
    %dma_start3A_283 = tpu.memref_slice %arg10[%dma_start3A_281, %dma_start3A_282] : memref<208x128xf32, #tpu.memory_space<vmem>> -> memref<128x128xf32, #tpu.memory_space<vmem>>
    %dma_start3A_284 = arith.constant 0 : i32
    %dma_start3A_285 = tpu.memref_slice %arg6[%dma_start3A_284] : memref<208xi32, #tpu.memory_space<vmem>> -> memref<128xi32, #tpu.memory_space<vmem>>
    %dma_start3A_286 = arith.constant 0 : i32
    %dma_start3A_287 = arith.constant 0 : i32
    %dma_start3A_288 = tpu.memref_slice %arg14[%dma_start3A_286, %dma_start3A_287] : memref<1000x128xf32, #tpu.memory_space<vmem_shared>> -> memref<1000x128xf32, #tpu.memory_space<vmem_shared>>
    tpu.enqueue_indirect_dma source(%dma_start3A_288 : memref<1000x128xf32, #tpu.memory_space<vmem_shared>>) target(%dma_start3A_283 : memref<128x128xf32, #tpu.memory_space<vmem>>) offsets(%dma_start3A_285 : memref<128xi32, #tpu.memory_space<vmem>>) semaphore(%arg18 : memref<!tpu.dma_semaphore, #tpu.memory_space<semaphore_mem>>)
    %dma_start3A_289 = arith.constant 0 : i32
    %dma_start3A_290 = arith.constant 0 : i32
    %dma_start3A_291 = tpu.memref_slice %arg12[%dma_start3A_289, %dma_start3A_290] : memref<208x128xf32, #tpu.memory_space<vmem>> -> memref<128x128xf32, #tpu.memory_space<vmem>>
    %dma_start3A_292 = arith.constant 0 : i32
    %dma_start3A_293 = tpu.memref_slice %arg8[%dma_start3A_292] : memref<208xi32, #tpu.memory_space<vmem>> -> memref<128xi32, #tpu.memory_space<vmem>>
    %dma_start3A_294 = arith.constant 0 : i32
    %dma_start3A_295 = arith.constant 0 : i32
    %dma_start3A_296 = tpu.memref_slice %arg15[%dma_start3A_294, %dma_start3A_295] : memref<256x128xf32, #tpu.memory_space<vmem_shared>> -> memref<256x128xf32, #tpu.memory_space<vmem_shared>>
    tpu.enqueue_indirect_dma source(%dma_start3A_296 : memref<256x128xf32, #tpu.memory_space<vmem_shared>>) target(%dma_start3A_291 : memref<128x128xf32, #tpu.memory_space<vmem>>) offsets(%dma_start3A_293 : memref<128xi32, #tpu.memory_space<vmem>>) semaphore(%arg20 : memref<!tpu.dma_semaphore, #tpu.memory_space<semaphore_mem>>)
    %dma_start3A_297 = arith.constant 128 : i32
    %dma_start3A_298 = arith.constant 0 : i32
    %dma_start3A_299 = tpu.memref_slice %arg10[%dma_start3A_297, %dma_start3A_298] : memref<208x128xf32, #tpu.memory_space<vmem>> -> memref<80x128xf32, #tpu.memory_space<vmem>>
    %dma_start3A_300 = arith.constant 128 : i32
    %dma_start3A_301 = tpu.memref_slice %arg6[%dma_start3A_300] : memref<208xi32, #tpu.memory_space<vmem>> -> memref<80xi32, #tpu.memory_space<vmem>>
    %dma_start3A_302 = arith.constant 0 : i32
    %dma_start3A_303 = arith.constant 0 : i32
    %dma_start3A_304 = tpu.memref_slice %arg14[%dma_start3A_302, %dma_start3A_303] : memref<1000x128xf32, #tpu.memory_space<vmem_shared>> -> memref<1000x128xf32, #tpu.memory_space<vmem_shared>>
    tpu.enqueue_indirect_dma source(%dma_start3A_304 : memref<1000x128xf32, #tpu.memory_space<vmem_shared>>) target(%dma_start3A_299 : memref<80x128xf32, #tpu.memory_space<vmem>>) offsets(%dma_start3A_301 : memref<80xi32, #tpu.memory_space<vmem>>) semaphore(%arg18 : memref<!tpu.dma_semaphore, #tpu.memory_space<semaphore_mem>>)
    %dma_start3A_305 = arith.constant 128 : i32
    %dma_start3A_306 = arith.constant 0 : i32
    %dma_start3A_307 = tpu.memref_slice %arg12[%dma_start3A_305, %dma_start3A_306] : memref<208x128xf32, #tpu.memory_space<vmem>> -> memref<80x128xf32, #tpu.memory_space<vmem>>
    %dma_start3A_308 = arith.constant 128 : i32
    %dma_start3A_309 = tpu.memref_slice %arg8[%dma_start3A_308] : memref<208xi32, #tpu.memory_space<vmem>> -> memref<80xi32, #tpu.memory_space<vmem>>
    %dma_start3A_310 = arith.constant 0 : i32
    %dma_start3A_311 = arith.constant 0 : i32
    %dma_start3A_312 = tpu.memref_slice %arg15[%dma_start3A_310, %dma_start3A_311] : memref<256x128xf32, #tpu.memory_space<vmem_shared>> -> memref<256x128xf32, #tpu.memory_space<vmem_shared>>
    tpu.enqueue_indirect_dma source(%dma_start3A_312 : memref<256x128xf32, #tpu.memory_space<vmem_shared>>) target(%dma_start3A_307 : memref<80x128xf32, #tpu.memory_space<vmem>>) offsets(%dma_start3A_309 : memref<80xi32, #tpu.memory_space<vmem>>) semaphore(%arg20 : memref<!tpu.dma_semaphore, #tpu.memory_space<semaphore_mem>>)
    %scan3A = arith.constant 0 : i32
    %scan3A_313 = arith.constant 0 : i32
    %scan3A_314 = arith.constant 16 : i32
    %scan3A_315 = arith.addi %scan3A_313, %scan3A_314 : i32
    %scan3A_316 = arith.constant 1 : i32
    scf.for %scan3A_353 = %scan3A_313 to %scan3A_315 step %scan3A_316  : i32 {
      %mul3A_354 = arith.constant 2 : i32
      %mul3A_355 = arith.muli %scan3A_353, %mul3A_354 : i32
      %add3A_356 = arith.constant 0 : i32
      %add3A_357 = arith.addi %mul3A_355, %add3A_356 : i32
      %add3A_358 = arith.addi %mul3A_2, %add3A_357 : i32
      %lt3A_359 = arith.constant 31 : i32
      %lt3A_360 = arith.cmpi slt, %add3A_357, %lt3A_359 : i32
      %convert_element_type3A_361 = arith.extui %lt3A_360 : i1 to i32
      %cond3A_362 = arith.constant 0 : i32
      %cond3A_363 = arith.cmpi ne, %convert_element_type3A_361, %cond3A_362 : i32
      scf.if %cond3A_363 {
        %dma_wait3A_448 = arith.constant 0 : i32
        %dma_wait3A_449 = tpu.memref_slice %arg7[%dma_wait3A_448] : memref<208xi32, #tpu.memory_space<vmem>> -> memref<200xi32, #tpu.memory_space<vmem>>
        %dma_wait3A_450 = arith.constant 0 : i32
        %dma_wait3A_451 = tpu.memref_slice %arg2[%dma_wait3A_450] : memref<204800xi32, #tpu.memory_space<hbm>> -> memref<200xi32, #tpu.memory_space<hbm>>
        %dma_wait3A_452 = arith.constant 0 : i32
        %dma_wait3A_453 = tpu.memref_slice %arg7[%dma_wait3A_452] : memref<208xi32, #tpu.memory_space<vmem>> -> memref<200xi32, #tpu.memory_space<vmem>>
        %dma_wait3A_454 = arith.constant 0 : i32
        %dma_wait3A_455 = tpu.memref_slice %arg2[%dma_wait3A_454] : memref<204800xi32, #tpu.memory_space<hbm>> -> memref<200xi32, #tpu.memory_space<hbm>>
        tpu.wait_dma2 semaphore(%arg17 : memref<!tpu.dma_semaphore, #tpu.memory_space<semaphore_mem>>) src(%dma_wait3A_455 : memref<200xi32, #tpu.memory_space<hbm>>) dst(%dma_wait3A_453 : memref<200xi32, #tpu.memory_space<vmem>>)
        %gt3A = arith.constant 0 : i32
        %gt3A_456 = arith.cmpi sgt, %add3A_357, %gt3A : i32
        %convert_element_type3A_457 = arith.extui %gt3A_456 : i1 to i32
        %cond3A_458 = arith.constant 0 : i32
        %cond3A_459 = arith.cmpi ne, %convert_element_type3A_457, %cond3A_458 : i32
        scf.if %cond3A_459 {
          %dma_wait3A_745 = arith.constant 0 : i32
          %dma_wait3A_746 = arith.constant 0 : i32
          %dma_wait3A_747 = tpu.memref_slice %arg11[%dma_wait3A_745, %dma_wait3A_746] : memref<208x128xf32, #tpu.memory_space<vmem>> -> memref<200x128xf32, #tpu.memory_space<vmem>>
          %dma_wait3A_748 = arith.constant 0 : i32
          %dma_wait3A_749 = arith.constant 0 : i32
          %dma_wait3A_750 = tpu.memref_slice %arg5[%add3A_358, %dma_wait3A_748, %dma_wait3A_749] : memref<1024x200x128xf32, #tpu.memory_space<hbm>> -> memref<1x200x128xf32, #tpu.memory_space<hbm>>
          %dma_wait3A_751 = tpu.memref_squeeze %dma_wait3A_750 : memref<1x200x128xf32, #tpu.memory_space<hbm>> -> memref<200x128xf32, #tpu.memory_space<hbm>>
          %dma_wait3A_752 = arith.constant 0 : i32
          %dma_wait3A_753 = arith.constant 0 : i32
          %dma_wait3A_754 = tpu.memref_slice %arg5[%add3A_358, %dma_wait3A_752, %dma_wait3A_753] : memref<1024x200x128xf32, #tpu.memory_space<hbm>> -> memref<1x200x128xf32, #tpu.memory_space<hbm>>
          %dma_wait3A_755 = tpu.memref_squeeze %dma_wait3A_754 : memref<1x200x128xf32, #tpu.memory_space<hbm>> -> memref<200x128xf32, #tpu.memory_space<hbm>>
          %dma_wait3A_756 = arith.constant 0 : i32
          %dma_wait3A_757 = arith.constant 0 : i32
          %dma_wait3A_758 = tpu.memref_slice %arg11[%dma_wait3A_756, %dma_wait3A_757] : memref<208x128xf32, #tpu.memory_space<vmem>> -> memref<200x128xf32, #tpu.memory_space<vmem>>
          tpu.wait_dma2 semaphore(%arg23 : memref<!tpu.dma_semaphore, #tpu.memory_space<semaphore_mem>>) src(%dma_wait3A_758 : memref<200x128xf32, #tpu.memory_space<vmem>>) dst(%dma_wait3A_755 : memref<200x128xf32, #tpu.memory_space<hbm>>)
        } else {
        }
        %get3A_460 = arith.constant 0 : index
        %get3A_461 = tpu.vector_load %arg7[%get3A_460] {strides = array<i32>} : memref<208xi32, #tpu.memory_space<vmem>>, vector<16xi32>,
        %ne3A_462 = arith.constant 0 : i32
        %ne3A_463 = vector.broadcast %ne3A_462 : i32 to vector<16xi32>
        %ne3A_464 = arith.cmpi ne, %get3A_461, %ne3A_463 : vector<16xi32>
        %select_n3A_465 = arith.select %ne3A_464, %broadcast_in_dim3A_3, %broadcast_in_dim3A_5 : vector<16xi1>, vector<16xi32>
        %broadcast_in_dim3A_466 = arith.constant true
        %broadcast_in_dim3A_467 = vector.broadcast %broadcast_in_dim3A_466 : i1 to vector<16xi1>
        %masked_cumsum3A_468 = tpu.scan <sum>, %select_n3A_465 masked %broadcast_in_dim3A_467 : vector<16xi32>, vector<16xi1> -> vector<16xi32>
        %add3A_469 = arith.addi %masked_cumsum3A_468, %broadcast_in_dim3A_5 : vector<16xi32>
        %mul3A_470 = arith.muli %add3A_469, %select_n3A_465 : vector<16xi32>
        %swap3A_471 = arith.constant 0 : index
        %swap3A_472 = tpu.vector_load %arg9[%swap3A_471] {strides = array<i32>} : memref<208xi32, #tpu.memory_space<vmem>>, vector<16xi32>,
        tpu.vector_store %arg9[%swap3A_471], %mul3A_470 {strides = array<i32>} : memref<208xi32, #tpu.memory_space<vmem>>, vector<16xi32>,
        %reduce_sum3A_473 = arith.constant true
        %reduce_sum3A_474 = vector.broadcast %reduce_sum3A_473 : i1 to vector<16xi1>
        %reduce_sum3A_475 = tpu.scan <sum>, %select_n3A_465 masked %reduce_sum3A_474 : vector<16xi32>, vector<16xi1> -> vector<16xi32>
        %reduce_sum3A_476 = vector.extract %reduce_sum3A_475[15] : i32 from vector<16xi32>
        %broadcast_in_dim3A_477 = vector.broadcast %reduce_sum3A_476 : i32 to vector<16xi32>
        %add3A_478 = arith.addi %broadcast_in_dim3A_5, %broadcast_in_dim3A_477 : vector<16xi32>
        %get3A_479 = arith.constant 16 : index
        %get3A_480 = tpu.vector_load %arg7[%get3A_479] {strides = array<i32>} : memref<208xi32, #tpu.memory_space<vmem>>, vector<16xi32>,
        %ne3A_481 = arith.constant 0 : i32
        %ne3A_482 = vector.broadcast %ne3A_481 : i32 to vector<16xi32>
        %ne3A_483 = arith.cmpi ne, %get3A_480, %ne3A_482 : vector<16xi32>
        %select_n3A_484 = arith.select %ne3A_483, %broadcast_in_dim3A_3, %broadcast_in_dim3A_5 : vector<16xi1>, vector<16xi32>
        %broadcast_in_dim3A_485 = arith.constant true
        %broadcast_in_dim3A_486 = vector.broadcast %broadcast_in_dim3A_485 : i1 to vector<16xi1>
        %masked_cumsum3A_487 = tpu.scan <sum>, %select_n3A_484 masked %broadcast_in_dim3A_486 : vector<16xi32>, vector<16xi1> -> vector<16xi32>
        %add3A_488 = arith.addi %masked_cumsum3A_487, %add3A_478 : vector<16xi32>
        %mul3A_489 = arith.muli %add3A_488, %select_n3A_484 : vector<16xi32>
        %swap3A_490 = arith.constant 16 : index
        %swap3A_491 = tpu.vector_load %arg9[%swap3A_490] {strides = array<i32>} : memref<208xi32, #tpu.memory_space<vmem>>, vector<16xi32>,
        tpu.vector_store %arg9[%swap3A_490], %mul3A_489 {strides = array<i32>} : memref<208xi32, #tpu.memory_space<vmem>>, vector<16xi32>,
        %reduce_sum3A_492 = arith.constant true
        %reduce_sum3A_493 = vector.broadcast %reduce_sum3A_492 : i1 to vector<16xi1>
        %reduce_sum3A_494 = tpu.scan <sum>, %select_n3A_484 masked %reduce_sum3A_493 : vector<16xi32>, vector<16xi1> -> vector<16xi32>
        %reduce_sum3A_495 = vector.extract %reduce_sum3A_494[15] : i32 from vector<16xi32>
        %broadcast_in_dim3A_496 = vector.broadcast %reduce_sum3A_495 : i32 to vector<16xi32>
        %add3A_497 = arith.addi %add3A_478, %broadcast_in_dim3A_496 : vector<16xi32>
        %get3A_498 = arith.constant 32 : index
        %get3A_499 = tpu.vector_load %arg7[%get3A_498] {strides = array<i32>} : memref<208xi32, #tpu.memory_space<vmem>>, vector<16xi32>,
        %ne3A_500 = arith.constant 0 : i32
        %ne3A_501 = vector.broadcast %ne3A_500 : i32 to vector<16xi32>
        %ne3A_502 = arith.cmpi ne, %get3A_499, %ne3A_501 : vector<16xi32>
        %select_n3A_503 = arith.select %ne3A_502, %broadcast_in_dim3A_3, %broadcast_in_dim3A_5 : vector<16xi1>, vector<16xi32>
        %broadcast_in_dim3A_504 = arith.constant true
        %broadcast_in_dim3A_505 = vector.broadcast %broadcast_in_dim3A_504 : i1 to vector<16xi1>
        %masked_cumsum3A_506 = tpu.scan <sum>, %select_n3A_503 masked %broadcast_in_dim3A_505 : vector<16xi32>, vector<16xi1> -> vector<16xi32>
        %add3A_507 = arith.addi %masked_cumsum3A_506, %add3A_497 : vector<16xi32>
        %mul3A_508 = arith.muli %add3A_507, %select_n3A_503 : vector<16xi32>
        %swap3A_509 = arith.constant 32 : index
        %swap3A_510 = tpu.vector_load %arg9[%swap3A_509] {strides = array<i32>} : memref<208xi32, #tpu.memory_space<vmem>>, vector<16xi32>,
        tpu.vector_store %arg9[%swap3A_509], %mul3A_508 {strides = array<i32>} : memref<208xi32, #tpu.memory_space<vmem>>, vector<16xi32>,
        %reduce_sum3A_511 = arith.constant true
        %reduce_sum3A_512 = vector.broadcast %reduce_sum3A_511 : i1 to vector<16xi1>
        %reduce_sum3A_513 = tpu.scan <sum>, %select_n3A_503 masked %reduce_sum3A_512 : vector<16xi32>, vector<16xi1> -> vector<16xi32>
        %reduce_sum3A_514 = vector.extract %reduce_sum3A_513[15] : i32 from vector<16xi32>
        %broadcast_in_dim3A_515 = vector.broadcast %reduce_sum3A_514 : i32 to vector<16xi32>
        %add3A_516 = arith.addi %add3A_497, %broadcast_in_dim3A_515 : vector<16xi32>
        %get3A_517 = arith.constant 48 : index
        %get3A_518 = tpu.vector_load %arg7[%get3A_517] {strides = array<i32>} : memref<208xi32, #tpu.memory_space<vmem>>, vector<16xi32>,
        %ne3A_519 = arith.constant 0 : i32
        %ne3A_520 = vector.broadcast %ne3A_519 : i32 to vector<16xi32>
        %ne3A_521 = arith.cmpi ne, %get3A_518, %ne3A_520 : vector<16xi32>
        %select_n3A_522 = arith.select %ne3A_521, %broadcast_in_dim3A_3, %broadcast_in_dim3A_5 : vector<16xi1>, vector<16xi32>
        %broadcast_in_dim3A_523 = arith.constant true
        %broadcast_in_dim3A_524 = vector.broadcast %broadcast_in_dim3A_523 : i1 to vector<16xi1>
        %masked_cumsum3A_525 = tpu.scan <sum>, %select_n3A_522 masked %broadcast_in_dim3A_524 : vector<16xi32>, vector<16xi1> -> vector<16xi32>
        %add3A_526 = arith.addi %masked_cumsum3A_525, %add3A_516 : vector<16xi32>
        %mul3A_527 = arith.muli %add3A_526, %select_n3A_522 : vector<16xi32>
        %swap3A_528 = arith.constant 48 : index
        %swap3A_529 = tpu.vector_load %arg9[%swap3A_528] {strides = array<i32>} : memref<208xi32, #tpu.memory_space<vmem>>, vector<16xi32>,
        tpu.vector_store %arg9[%swap3A_528], %mul3A_527 {strides = array<i32>} : memref<208xi32, #tpu.memory_space<vmem>>, vector<16xi32>,
        %reduce_sum3A_530 = arith.constant true
        %reduce_sum3A_531 = vector.broadcast %reduce_sum3A_530 : i1 to vector<16xi1>
        %reduce_sum3A_532 = tpu.scan <sum>, %select_n3A_522 masked %reduce_sum3A_531 : vector<16xi32>, vector<16xi1> -> vector<16xi32>
        %reduce_sum3A_533 = vector.extract %reduce_sum3A_532[15] : i32 from vector<16xi32>
        %broadcast_in_dim3A_534 = vector.broadcast %reduce_sum3A_533 : i32 to vector<16xi32>
        %add3A_535 = arith.addi %add3A_516, %broadcast_in_dim3A_534 : vector<16xi32>
        %get3A_536 = arith.constant 64 : index
        %get3A_537 = tpu.vector_load %arg7[%get3A_536] {strides = array<i32>} : memref<208xi32, #tpu.memory_space<vmem>>, vector<16xi32>,
        %ne3A_538 = arith.constant 0 : i32
        %ne3A_539 = vector.broadcast %ne3A_538 : i32 to vector<16xi32>
        %ne3A_540 = arith.cmpi ne, %get3A_537, %ne3A_539 : vector<16xi32>
        %select_n3A_541 = arith.select %ne3A_540, %broadcast_in_dim3A_3, %broadcast_in_dim3A_5 : vector<16xi1>, vector<16xi32>
        %broadcast_in_dim3A_542 = arith.constant true
        %broadcast_in_dim3A_543 = vector.broadcast %broadcast_in_dim3A_542 : i1 to vector<16xi1>
        %masked_cumsum3A_544 = tpu.scan <sum>, %select_n3A_541 masked %broadcast_in_dim3A_543 : vector<16xi32>, vector<16xi1> -> vector<16xi32>
        %add3A_545 = arith.addi %masked_cumsum3A_544, %add3A_535 : vector<16xi32>
        %mul3A_546 = arith.muli %add3A_545, %select_n3A_541 : vector<16xi32>
        %swap3A_547 = arith.constant 64 : index
        %swap3A_548 = tpu.vector_load %arg9[%swap3A_547] {strides = array<i32>} : memref<208xi32, #tpu.memory_space<vmem>>, vector<16xi32>,
        tpu.vector_store %arg9[%swap3A_547], %mul3A_546 {strides = array<i32>} : memref<208xi32, #tpu.memory_space<vmem>>, vector<16xi32>,
        %reduce_sum3A_549 = arith.constant true
        %reduce_sum3A_550 = vector.broadcast %reduce_sum3A_549 : i1 to vector<16xi1>
        %reduce_sum3A_551 = tpu.scan <sum>, %select_n3A_541 masked %reduce_sum3A_550 : vector<16xi32>, vector<16xi1> -> vector<16xi32>
        %reduce_sum3A_552 = vector.extract %reduce_sum3A_551[15] : i32 from vector<16xi32>
        %broadcast_in_dim3A_553 = vector.broadcast %reduce_sum3A_552 : i32 to vector<16xi32>
        %add3A_554 = arith.addi %add3A_535, %broadcast_in_dim3A_553 : vector<16xi32>
        %get3A_555 = arith.constant 80 : index
        %get3A_556 = tpu.vector_load %arg7[%get3A_555] {strides = array<i32>} : memref<208xi32, #tpu.memory_space<vmem>>, vector<16xi32>,
        %ne3A_557 = arith.constant 0 : i32
        %ne3A_558 = vector.broadcast %ne3A_557 : i32 to vector<16xi32>
        %ne3A_559 = arith.cmpi ne, %get3A_556, %ne3A_558 : vector<16xi32>
        %select_n3A_560 = arith.select %ne3A_559, %broadcast_in_dim3A_3, %broadcast_in_dim3A_5 : vector<16xi1>, vector<16xi32>
        %broadcast_in_dim3A_561 = arith.constant true
        %broadcast_in_dim3A_562 = vector.broadcast %broadcast_in_dim3A_561 : i1 to vector<16xi1>
        %masked_cumsum3A_563 = tpu.scan <sum>, %select_n3A_560 masked %broadcast_in_dim3A_562 : vector<16xi32>, vector<16xi1> -> vector<16xi32>
        %add3A_564 = arith.addi %masked_cumsum3A_563, %add3A_554 : vector<16xi32>
        %mul3A_565 = arith.muli %add3A_564, %select_n3A_560 : vector<16xi32>
        %swap3A_566 = arith.constant 80 : index
        %swap3A_567 = tpu.vector_load %arg9[%swap3A_566] {strides = array<i32>} : memref<208xi32, #tpu.memory_space<vmem>>, vector<16xi32>,
        tpu.vector_store %arg9[%swap3A_566], %mul3A_565 {strides = array<i32>} : memref<208xi32, #tpu.memory_space<vmem>>, vector<16xi32>,
        %reduce_sum3A_568 = arith.constant true
        %reduce_sum3A_569 = vector.broadcast %reduce_sum3A_568 : i1 to vector<16xi1>
        %reduce_sum3A_570 = tpu.scan <sum>, %select_n3A_560 masked %reduce_sum3A_569 : vector<16xi32>, vector<16xi1> -> vector<16xi32>
        %reduce_sum3A_571 = vector.extract %reduce_sum3A_570[15] : i32 from vector<16xi32>
        %broadcast_in_dim3A_572 = vector.broadcast %reduce_sum3A_571 : i32 to vector<16xi32>
        %add3A_573 = arith.addi %add3A_554, %broadcast_in_dim3A_572 : vector<16xi32>
        %get3A_574 = arith.constant 96 : index
        %get3A_575 = tpu.vector_load %arg7[%get3A_574] {strides = array<i32>} : memref<208xi32, #tpu.memory_space<vmem>>, vector<16xi32>,
        %ne3A_576 = arith.constant 0 : i32
        %ne3A_577 = vector.broadcast %ne3A_576 : i32 to vector<16xi32>
        %ne3A_578 = arith.cmpi ne, %get3A_575, %ne3A_577 : vector<16xi32>
        %select_n3A_579 = arith.select %ne3A_578, %broadcast_in_dim3A_3, %broadcast_in_dim3A_5 : vector<16xi1>, vector<16xi32>
        %broadcast_in_dim3A_580 = arith.constant true
        %broadcast_in_dim3A_581 = vector.broadcast %broadcast_in_dim3A_580 : i1 to vector<16xi1>
        %masked_cumsum3A_582 = tpu.scan <sum>, %select_n3A_579 masked %broadcast_in_dim3A_581 : vector<16xi32>, vector<16xi1> -> vector<16xi32>
        %add3A_583 = arith.addi %masked_cumsum3A_582, %add3A_573 : vector<16xi32>
        %mul3A_584 = arith.muli %add3A_583, %select_n3A_579 : vector<16xi32>
        %swap3A_585 = arith.constant 96 : index
        %swap3A_586 = tpu.vector_load %arg9[%swap3A_585] {strides = array<i32>} : memref<208xi32, #tpu.memory_space<vmem>>, vector<16xi32>,
        tpu.vector_store %arg9[%swap3A_585], %mul3A_584 {strides = array<i32>} : memref<208xi32, #tpu.memory_space<vmem>>, vector<16xi32>,
        %reduce_sum3A_587 = arith.constant true
        %reduce_sum3A_588 = vector.broadcast %reduce_sum3A_587 : i1 to vector<16xi1>
        %reduce_sum3A_589 = tpu.scan <sum>, %select_n3A_579 masked %reduce_sum3A_588 : vector<16xi32>, vector<16xi1> -> vector<16xi32>
        %reduce_sum3A_590 = vector.extract %reduce_sum3A_589[15] : i32 from vector<16xi32>
        %broadcast_in_dim3A_591 = vector.broadcast %reduce_sum3A_590 : i32 to vector<16xi32>
        %add3A_592 = arith.addi %add3A_573, %broadcast_in_dim3A_591 : vector<16xi32>
        %get3A_593 = arith.constant 112 : index
        %get3A_594 = tpu.vector_load %arg7[%get3A_593] {strides = array<i32>} : memref<208xi32, #tpu.memory_space<vmem>>, vector<16xi32>,
        %ne3A_595 = arith.constant 0 : i32
        %ne3A_596 = vector.broadcast %ne3A_595 : i32 to vector<16xi32>
        %ne3A_597 = arith.cmpi ne, %get3A_594, %ne3A_596 : vector<16xi32>
        %select_n3A_598 = arith.select %ne3A_597, %broadcast_in_dim3A_3, %broadcast_in_dim3A_5 : vector<16xi1>, vector<16xi32>
        %broadcast_in_dim3A_599 = arith.constant true
        %broadcast_in_dim3A_600 = vector.broadcast %broadcast_in_dim3A_599 : i1 to vector<16xi1>
        %masked_cumsum3A_601 = tpu.scan <sum>, %select_n3A_598 masked %broadcast_in_dim3A_600 : vector<16xi32>, vector<16xi1> -> vector<16xi32>
        %add3A_602 = arith.addi %masked_cumsum3A_601, %add3A_592 : vector<16xi32>
        %mul3A_603 = arith.muli %add3A_602, %select_n3A_598 : vector<16xi32>
        %swap3A_604 = arith.constant 112 : index
        %swap3A_605 = tpu.vector_load %arg9[%swap3A_604] {strides = array<i32>} : memref<208xi32, #tpu.memory_space<vmem>>, vector<16xi32>,
        tpu.vector_store %arg9[%swap3A_604], %mul3A_603 {strides = array<i32>} : memref<208xi32, #tpu.memory_space<vmem>>, vector<16xi32>,
        %reduce_sum3A_606 = arith.constant true
        %reduce_sum3A_607 = vector.broadcast %reduce_sum3A_606 : i1 to vector<16xi1>
        %reduce_sum3A_608 = tpu.scan <sum>, %select_n3A_598 masked %reduce_sum3A_607 : vector<16xi32>, vector<16xi1> -> vector<16xi32>
        %reduce_sum3A_609 = vector.extract %reduce_sum3A_608[15] : i32 from vector<16xi32>
        %broadcast_in_dim3A_610 = vector.broadcast %reduce_sum3A_609 : i32 to vector<16xi32>
        %add3A_611 = arith.addi %add3A_592, %broadcast_in_dim3A_610 : vector<16xi32>
        %get3A_612 = arith.constant 128 : index
        %get3A_613 = tpu.vector_load %arg7[%get3A_612] {strides = array<i32>} : memref<208xi32, #tpu.memory_space<vmem>>, vector<16xi32>,
        %ne3A_614 = arith.constant 0 : i32
        %ne3A_615 = vector.broadcast %ne3A_614 : i32 to vector<16xi32>
        %ne3A_616 = arith.cmpi ne, %get3A_613, %ne3A_615 : vector<16xi32>
        %select_n3A_617 = arith.select %ne3A_616, %broadcast_in_dim3A_3, %broadcast_in_dim3A_5 : vector<16xi1>, vector<16xi32>
        %broadcast_in_dim3A_618 = arith.constant true
        %broadcast_in_dim3A_619 = vector.broadcast %broadcast_in_dim3A_618 : i1 to vector<16xi1>
        %masked_cumsum3A_620 = tpu.scan <sum>, %select_n3A_617 masked %broadcast_in_dim3A_619 : vector<16xi32>, vector<16xi1> -> vector<16xi32>
        %add3A_621 = arith.addi %masked_cumsum3A_620, %add3A_611 : vector<16xi32>
        %mul3A_622 = arith.muli %add3A_621, %select_n3A_617 : vector<16xi32>
        %swap3A_623 = arith.constant 128 : index
        %swap3A_624 = tpu.vector_load %arg9[%swap3A_623] {strides = array<i32>} : memref<208xi32, #tpu.memory_space<vmem>>, vector<16xi32>,
        tpu.vector_store %arg9[%swap3A_623], %mul3A_622 {strides = array<i32>} : memref<208xi32, #tpu.memory_space<vmem>>, vector<16xi32>,
        %reduce_sum3A_625 = arith.constant true
        %reduce_sum3A_626 = vector.broadcast %reduce_sum3A_625 : i1 to vector<16xi1>
        %reduce_sum3A_627 = tpu.scan <sum>, %select_n3A_617 masked %reduce_sum3A_626 : vector<16xi32>, vector<16xi1> -> vector<16xi32>
        %reduce_sum3A_628 = vector.extract %reduce_sum3A_627[15] : i32 from vector<16xi32>
        %broadcast_in_dim3A_629 = vector.broadcast %reduce_sum3A_628 : i32 to vector<16xi32>
        %add3A_630 = arith.addi %add3A_611, %broadcast_in_dim3A_629 : vector<16xi32>
        %get3A_631 = arith.constant 144 : index
        %get3A_632 = tpu.vector_load %arg7[%get3A_631] {strides = array<i32>} : memref<208xi32, #tpu.memory_space<vmem>>, vector<16xi32>,
        %ne3A_633 = arith.constant 0 : i32
        %ne3A_634 = vector.broadcast %ne3A_633 : i32 to vector<16xi32>
        %ne3A_635 = arith.cmpi ne, %get3A_632, %ne3A_634 : vector<16xi32>
        %select_n3A_636 = arith.select %ne3A_635, %broadcast_in_dim3A_3, %broadcast_in_dim3A_5 : vector<16xi1>, vector<16xi32>
        %broadcast_in_dim3A_637 = arith.constant true
        %broadcast_in_dim3A_638 = vector.broadcast %broadcast_in_dim3A_637 : i1 to vector<16xi1>
        %masked_cumsum3A_639 = tpu.scan <sum>, %select_n3A_636 masked %broadcast_in_dim3A_638 : vector<16xi32>, vector<16xi1> -> vector<16xi32>
        %add3A_640 = arith.addi %masked_cumsum3A_639, %add3A_630 : vector<16xi32>
        %mul3A_641 = arith.muli %add3A_640, %select_n3A_636 : vector<16xi32>
        %swap3A_642 = arith.constant 144 : index
        %swap3A_643 = tpu.vector_load %arg9[%swap3A_642] {strides = array<i32>} : memref<208xi32, #tpu.memory_space<vmem>>, vector<16xi32>,
        tpu.vector_store %arg9[%swap3A_642], %mul3A_641 {strides = array<i32>} : memref<208xi32, #tpu.memory_space<vmem>>, vector<16xi32>,
        %reduce_sum3A_644 = arith.constant true
        %reduce_sum3A_645 = vector.broadcast %reduce_sum3A_644 : i1 to vector<16xi1>
        %reduce_sum3A_646 = tpu.scan <sum>, %select_n3A_636 masked %reduce_sum3A_645 : vector<16xi32>, vector<16xi1> -> vector<16xi32>
        %reduce_sum3A_647 = vector.extract %reduce_sum3A_646[15] : i32 from vector<16xi32>
        %broadcast_in_dim3A_648 = vector.broadcast %reduce_sum3A_647 : i32 to vector<16xi32>
        %add3A_649 = arith.addi %add3A_630, %broadcast_in_dim3A_648 : vector<16xi32>
        %get3A_650 = arith.constant 160 : index
        %get3A_651 = tpu.vector_load %arg7[%get3A_650] {strides = array<i32>} : memref<208xi32, #tpu.memory_space<vmem>>, vector<16xi32>,
        %ne3A_652 = arith.constant 0 : i32
        %ne3A_653 = vector.broadcast %ne3A_652 : i32 to vector<16xi32>
        %ne3A_654 = arith.cmpi ne, %get3A_651, %ne3A_653 : vector<16xi32>
        %select_n3A_655 = arith.select %ne3A_654, %broadcast_in_dim3A_3, %broadcast_in_dim3A_5 : vector<16xi1>, vector<16xi32>
        %broadcast_in_dim3A_656 = arith.constant true
        %broadcast_in_dim3A_657 = vector.broadcast %broadcast_in_dim3A_656 : i1 to vector<16xi1>
        %masked_cumsum3A_658 = tpu.scan <sum>, %select_n3A_655 masked %broadcast_in_dim3A_657 : vector<16xi32>, vector<16xi1> -> vector<16xi32>
        %add3A_659 = arith.addi %masked_cumsum3A_658, %add3A_649 : vector<16xi32>
        %mul3A_660 = arith.muli %add3A_659, %select_n3A_655 : vector<16xi32>
        %swap3A_661 = arith.constant 160 : index
        %swap3A_662 = tpu.vector_load %arg9[%swap3A_661] {strides = array<i32>} : memref<208xi32, #tpu.memory_space<vmem>>, vector<16xi32>,
        tpu.vector_store %arg9[%swap3A_661], %mul3A_660 {strides = array<i32>} : memref<208xi32, #tpu.memory_space<vmem>>, vector<16xi32>,
        %reduce_sum3A_663 = arith.constant true
        %reduce_sum3A_664 = vector.broadcast %reduce_sum3A_663 : i1 to vector<16xi1>
        %reduce_sum3A_665 = tpu.scan <sum>, %select_n3A_655 masked %reduce_sum3A_664 : vector<16xi32>, vector<16xi1> -> vector<16xi32>
        %reduce_sum3A_666 = vector.extract %reduce_sum3A_665[15] : i32 from vector<16xi32>
        %broadcast_in_dim3A_667 = vector.broadcast %reduce_sum3A_666 : i32 to vector<16xi32>
        %add3A_668 = arith.addi %add3A_649, %broadcast_in_dim3A_667 : vector<16xi32>
        %get3A_669 = arith.constant 176 : index
        %get3A_670 = tpu.vector_load %arg7[%get3A_669] {strides = array<i32>} : memref<208xi32, #tpu.memory_space<vmem>>, vector<16xi32>,
        %ne3A_671 = arith.constant 0 : i32
        %ne3A_672 = vector.broadcast %ne3A_671 : i32 to vector<16xi32>
        %ne3A_673 = arith.cmpi ne, %get3A_670, %ne3A_672 : vector<16xi32>
        %select_n3A_674 = arith.select %ne3A_673, %broadcast_in_dim3A_3, %broadcast_in_dim3A_5 : vector<16xi1>, vector<16xi32>
        %broadcast_in_dim3A_675 = arith.constant true
        %broadcast_in_dim3A_676 = vector.broadcast %broadcast_in_dim3A_675 : i1 to vector<16xi1>
        %masked_cumsum3A_677 = tpu.scan <sum>, %select_n3A_674 masked %broadcast_in_dim3A_676 : vector<16xi32>, vector<16xi1> -> vector<16xi32>
        %add3A_678 = arith.addi %masked_cumsum3A_677, %add3A_668 : vector<16xi32>
        %mul3A_679 = arith.muli %add3A_678, %select_n3A_674 : vector<16xi32>
        %swap3A_680 = arith.constant 176 : index
        %swap3A_681 = tpu.vector_load %arg9[%swap3A_680] {strides = array<i32>} : memref<208xi32, #tpu.memory_space<vmem>>, vector<16xi32>,
        tpu.vector_store %arg9[%swap3A_680], %mul3A_679 {strides = array<i32>} : memref<208xi32, #tpu.memory_space<vmem>>, vector<16xi32>,
        %reduce_sum3A_682 = arith.constant true
        %reduce_sum3A_683 = vector.broadcast %reduce_sum3A_682 : i1 to vector<16xi1>
        %reduce_sum3A_684 = tpu.scan <sum>, %select_n3A_674 masked %reduce_sum3A_683 : vector<16xi32>, vector<16xi1> -> vector<16xi32>
        %reduce_sum3A_685 = vector.extract %reduce_sum3A_684[15] : i32 from vector<16xi32>
        %broadcast_in_dim3A_686 = vector.broadcast %reduce_sum3A_685 : i32 to vector<16xi32>
        %add3A_687 = arith.addi %add3A_668, %broadcast_in_dim3A_686 : vector<16xi32>
        %get3A_688 = arith.constant 192 : index
        %get3A_689 = tpu.vector_load %arg7[%get3A_688] {strides = array<i32>} : memref<208xi32, #tpu.memory_space<vmem>>, vector<16xi32>,
        %lt3A_690 = arith.constant 8 : i32
        %lt3A_691 = vector.broadcast %lt3A_690 : i32 to vector<16xi32>
        %lt3A_692 = arith.cmpi slt, %iota3A, %lt3A_691 : vector<16xi32>
        %select_n3A_693 = arith.select %lt3A_692, %get3A_689, %broadcast_in_dim3A_5 : vector<16xi1>, vector<16xi32>
        %swap3A_694 = arith.constant 192 : index
        %swap3A_695 = tpu.vector_load %arg7[%swap3A_694] {strides = array<i32>} : memref<208xi32, #tpu.memory_space<vmem>>, vector<16xi32>,
        tpu.vector_store %arg7[%swap3A_694], %select_n3A_693 {strides = array<i32>} : memref<208xi32, #tpu.memory_space<vmem>>, vector<16xi32>,
        %ne3A_696 = arith.constant 0 : i32
        %ne3A_697 = vector.broadcast %ne3A_696 : i32 to vector<16xi32>
        %ne3A_698 = arith.cmpi ne, %select_n3A_693, %ne3A_697 : vector<16xi32>
        %select_n3A_699 = arith.select %ne3A_698, %broadcast_in_dim3A_3, %broadcast_in_dim3A_5 : vector<16xi1>, vector<16xi32>
        %broadcast_in_dim3A_700 = arith.constant true
        %broadcast_in_dim3A_701 = vector.broadcast %broadcast_in_dim3A_700 : i1 to vector<16xi1>
        %masked_cumsum3A_702 = tpu.scan <sum>, %select_n3A_699 masked %broadcast_in_dim3A_701 : vector<16xi32>, vector<16xi1> -> vector<16xi32>
        %add3A_703 = arith.addi %masked_cumsum3A_702, %add3A_687 : vector<16xi32>
        %mul3A_704 = arith.muli %add3A_703, %select_n3A_699 : vector<16xi32>
        %swap3A_705 = arith.constant 192 : index
        %swap3A_706 = tpu.vector_load %arg9[%swap3A_705] {strides = array<i32>} : memref<208xi32, #tpu.memory_space<vmem>>, vector<16xi32>,
        tpu.vector_store %arg9[%swap3A_705], %mul3A_704 {strides = array<i32>} : memref<208xi32, #tpu.memory_space<vmem>>, vector<16xi32>,
        %reduce_sum3A_707 = arith.constant true
        %reduce_sum3A_708 = vector.broadcast %reduce_sum3A_707 : i1 to vector<16xi1>
        %reduce_sum3A_709 = tpu.scan <sum>, %select_n3A_699 masked %reduce_sum3A_708 : vector<16xi32>, vector<16xi1> -> vector<16xi32>
        %reduce_sum3A_710 = vector.extract %reduce_sum3A_709[15] : i32 from vector<16xi32>
        %broadcast_in_dim3A_711 = vector.broadcast %reduce_sum3A_710 : i32 to vector<16xi32>
        %add3A_712 = arith.addi %add3A_687, %broadcast_in_dim3A_711 : vector<16xi32>
        %dma_start3A_713 = arith.constant 0 : i32
        %dma_start3A_714 = arith.constant 0 : i32
        %dma_start3A_715 = tpu.memref_slice %arg11[%dma_start3A_713, %dma_start3A_714] : memref<208x128xf32, #tpu.memory_space<vmem>> -> memref<128x128xf32, #tpu.memory_space<vmem>>
        %dma_start3A_716 = arith.constant 0 : i32
        %dma_start3A_717 = tpu.memref_slice %arg7[%dma_start3A_716] : memref<208xi32, #tpu.memory_space<vmem>> -> memref<128xi32, #tpu.memory_space<vmem>>
        %dma_start3A_718 = arith.constant 0 : i32
        %dma_start3A_719 = arith.constant 0 : i32
        %dma_start3A_720 = tpu.memref_slice %arg14[%dma_start3A_718, %dma_start3A_719] : memref<1000x128xf32, #tpu.memory_space<vmem_shared>> -> memref<1000x128xf32, #tpu.memory_space<vmem_shared>>
        tpu.enqueue_indirect_dma source(%dma_start3A_720 : memref<1000x128xf32, #tpu.memory_space<vmem_shared>>) target(%dma_start3A_715 : memref<128x128xf32, #tpu.memory_space<vmem>>) offsets(%dma_start3A_717 : memref<128xi32, #tpu.memory_space<vmem>>) semaphore(%arg19 : memref<!tpu.dma_semaphore, #tpu.memory_space<semaphore_mem>>)
        %dma_start3A_721 = arith.constant 0 : i32
        %dma_start3A_722 = arith.constant 0 : i32
        %dma_start3A_723 = tpu.memref_slice %arg13[%dma_start3A_721, %dma_start3A_722] : memref<208x128xf32, #tpu.memory_space<vmem>> -> memref<128x128xf32, #tpu.memory_space<vmem>>
        %dma_start3A_724 = arith.constant 0 : i32
        %dma_start3A_725 = tpu.memref_slice %arg9[%dma_start3A_724] : memref<208xi32, #tpu.memory_space<vmem>> -> memref<128xi32, #tpu.memory_space<vmem>>
        %dma_start3A_726 = arith.constant 0 : i32
        %dma_start3A_727 = arith.constant 0 : i32
        %dma_start3A_728 = tpu.memref_slice %arg15[%dma_start3A_726, %dma_start3A_727] : memref<256x128xf32, #tpu.memory_space<vmem_shared>> -> memref<256x128xf32, #tpu.memory_space<vmem_shared>>
        tpu.enqueue_indirect_dma source(%dma_start3A_728 : memref<256x128xf32, #tpu.memory_space<vmem_shared>>) target(%dma_start3A_723 : memref<128x128xf32, #tpu.memory_space<vmem>>) offsets(%dma_start3A_725 : memref<128xi32, #tpu.memory_space<vmem>>) semaphore(%arg21 : memref<!tpu.dma_semaphore, #tpu.memory_space<semaphore_mem>>)
        %dma_start3A_729 = arith.constant 128 : i32
        %dma_start3A_730 = arith.constant 0 : i32
        %dma_start3A_731 = tpu.memref_slice %arg11[%dma_start3A_729, %dma_start3A_730] : memref<208x128xf32, #tpu.memory_space<vmem>> -> memref<80x128xf32, #tpu.memory_space<vmem>>
        %dma_start3A_732 = arith.constant 128 : i32
        %dma_start3A_733 = tpu.memref_slice %arg7[%dma_start3A_732] : memref<208xi32, #tpu.memory_space<vmem>> -> memref<80xi32, #tpu.memory_space<vmem>>
        %dma_start3A_734 = arith.constant 0 : i32
        %dma_start3A_735 = arith.constant 0 : i32
        %dma_start3A_736 = tpu.memref_slice %arg14[%dma_start3A_734, %dma_start3A_735] : memref<1000x128xf32, #tpu.memory_space<vmem_shared>> -> memref<1000x128xf32, #tpu.memory_space<vmem_shared>>
        tpu.enqueue_indirect_dma source(%dma_start3A_736 : memref<1000x128xf32, #tpu.memory_space<vmem_shared>>) target(%dma_start3A_731 : memref<80x128xf32, #tpu.memory_space<vmem>>) offsets(%dma_start3A_733 : memref<80xi32, #tpu.memory_space<vmem>>) semaphore(%arg19 : memref<!tpu.dma_semaphore, #tpu.memory_space<semaphore_mem>>)
        %dma_start3A_737 = arith.constant 128 : i32
        %dma_start3A_738 = arith.constant 0 : i32
        %dma_start3A_739 = tpu.memref_slice %arg13[%dma_start3A_737, %dma_start3A_738] : memref<208x128xf32, #tpu.memory_space<vmem>> -> memref<80x128xf32, #tpu.memory_space<vmem>>
        %dma_start3A_740 = arith.constant 128 : i32
        %dma_start3A_741 = tpu.memref_slice %arg9[%dma_start3A_740] : memref<208xi32, #tpu.memory_space<vmem>> -> memref<80xi32, #tpu.memory_space<vmem>>
        %dma_start3A_742 = arith.constant 0 : i32
        %dma_start3A_743 = arith.constant 0 : i32
        %dma_start3A_744 = tpu.memref_slice %arg15[%dma_start3A_742, %dma_start3A_743] : memref<256x128xf32, #tpu.memory_space<vmem_shared>> -> memref<256x128xf32, #tpu.memory_space<vmem_shared>>
        tpu.enqueue_indirect_dma source(%dma_start3A_744 : memref<256x128xf32, #tpu.memory_space<vmem_shared>>) target(%dma_start3A_739 : memref<80x128xf32, #tpu.memory_space<vmem>>) offsets(%dma_start3A_741 : memref<80xi32, #tpu.memory_space<vmem>>) semaphore(%arg21 : memref<!tpu.dma_semaphore, #tpu.memory_space<semaphore_mem>>)
      } else {
      }
      %dma_wait3A_364 = arith.constant 0 : i32
      %dma_wait3A_365 = arith.constant 0 : i32
      %dma_wait3A_366 = tpu.memref_slice %arg3[%dma_wait3A_364, %dma_wait3A_365] : memref<1000x128xf32, #tpu.memory_space<hbm>> -> memref<208x128xf32, #tpu.memory_space<hbm>>
      %dma_wait3A_367 = arith.constant 0 : i32
      %dma_wait3A_368 = arith.constant 0 : i32
      %dma_wait3A_369 = tpu.memref_slice %arg3[%dma_wait3A_367, %dma_wait3A_368] : memref<1000x128xf32, #tpu.memory_space<hbm>> -> memref<208x128xf32, #tpu.memory_space<hbm>>
      tpu.wait_dma2 semaphore(%arg18 : memref<!tpu.dma_semaphore, #tpu.memory_space<semaphore_mem>>) src(%dma_wait3A_369 : memref<208x128xf32, #tpu.memory_space<hbm>>) dst(%arg10 : memref<208x128xf32, #tpu.memory_space<vmem>>)
      %dma_wait3A_370 = arith.constant 0 : i32
      %dma_wait3A_371 = arith.constant 0 : i32
      %dma_wait3A_372 = tpu.memref_slice %arg4[%dma_wait3A_370, %dma_wait3A_371] : memref<256x128xf32, #tpu.memory_space<hbm>> -> memref<208x128xf32, #tpu.memory_space<hbm>>
      %dma_wait3A_373 = arith.constant 0 : i32
      %dma_wait3A_374 = arith.constant 0 : i32
      %dma_wait3A_375 = tpu.memref_slice %arg4[%dma_wait3A_373, %dma_wait3A_374] : memref<256x128xf32, #tpu.memory_space<hbm>> -> memref<208x128xf32, #tpu.memory_space<hbm>>
      tpu.wait_dma2 semaphore(%arg20 : memref<!tpu.dma_semaphore, #tpu.memory_space<semaphore_mem>>) src(%dma_wait3A_375 : memref<208x128xf32, #tpu.memory_space<hbm>>) dst(%arg12 : memref<208x128xf32, #tpu.memory_space<vmem>>)
      %lt3A_376 = arith.constant 30 : i32
      %lt3A_377 = arith.cmpi slt, %add3A_357, %lt3A_376 : i32
      %convert_element_type3A_378 = arith.extui %lt3A_377 : i1 to i32
      %cond3A_379 = arith.constant 0 : i32
      %cond3A_380 = arith.cmpi ne, %convert_element_type3A_378, %cond3A_379 : i32
      scf.if %cond3A_380 {
        %add3A_448 = arith.constant 2 : i32
        %add3A_449 = arith.addi %add3A_358, %add3A_448 : i32
        %mul3A_450 = arith.constant 200 : i32
        %mul3A_451 = arith.muli %add3A_449, %mul3A_450 : i32
        %dma_start3A_452 = arith.constant 0 : i32
        %dma_start3A_453 = tpu.memref_slice %arg6[%dma_start3A_452] : memref<208xi32, #tpu.memory_space<vmem>> -> memref<200xi32, #tpu.memory_space<vmem>>
        %dma_start3A_454 = tpu.memref_slice %arg2[%mul3A_451] : memref<204800xi32, #tpu.memory_space<hbm>> -> memref<200xi32, #tpu.memory_space<hbm>>
        %dma_start3A_455 = arith.constant 0 : i32
        %dma_start3A_456 = tpu.memref_slice %arg6[%dma_start3A_455] : memref<208xi32, #tpu.memory_space<vmem>> -> memref<200xi32, #tpu.memory_space<vmem>>
        %dma_start3A_457 = tpu.memref_slice %arg2[%mul3A_451] : memref<204800xi32, #tpu.memory_space<hbm>> -> memref<200xi32, #tpu.memory_space<hbm>>
        tpu.enqueue_dma source(%dma_start3A_457 : memref<200xi32, #tpu.memory_space<hbm>>) target(%dma_start3A_456 : memref<200xi32, #tpu.memory_space<vmem>>) target_semaphore(%arg16 : memref<!tpu.dma_semaphore, #tpu.memory_space<semaphore_mem>>)
      } else {
      }
      %scan3A_381 = arith.constant 0 : i32
      %scan3A_382 = arith.constant 0 : i32
      %scan3A_383 = arith.constant 200 : i32
      %scan3A_384 = arith.addi %scan3A_382, %scan3A_383 : i32
      %scan3A_385 = arith.constant 1 : i32
      scf.for %scan3A_448 = %scan3A_382 to %scan3A_384 step %scan3A_385  : i32 {
        %get3A_449 = arith.index_cast %scan3A_448 : i32 to index
        %get3A_450 = arith.constant 0 : index
        %get3A_451 = tpu.vector_load %arg12[%get3A_449, %get3A_450] {strides = array<i32>} : memref<208x128xf32, #tpu.memory_space<vmem>>, vector<16xf32>,
        %swap3A_452 = arith.index_cast %scan3A_448 : i32 to index
        %swap3A_453 = arith.constant 0 : index
        %swap3A_454 = tpu.vector_load %arg10[%swap3A_452, %swap3A_453] {strides = array<i32>} : memref<208x128xf32, #tpu.memory_space<vmem>>, vector<16xf32>,
        tpu.vector_store %arg10[%swap3A_452, %swap3A_453], %get3A_451 {add = true, strides = array<i32>} : memref<208x128xf32, #tpu.memory_space<vmem>>, vector<16xf32>,
        %get3A_455 = arith.index_cast %scan3A_448 : i32 to index
        %get3A_456 = arith.constant 16 : index
        %get3A_457 = tpu.vector_load %arg12[%get3A_455, %get3A_456] {strides = array<i32>} : memref<208x128xf32, #tpu.memory_space<vmem>>, vector<16xf32>,
        %swap3A_458 = arith.index_cast %scan3A_448 : i32 to index
        %swap3A_459 = arith.constant 16 : index
        %swap3A_460 = tpu.vector_load %arg10[%swap3A_458, %swap3A_459] {strides = array<i32>} : memref<208x128xf32, #tpu.memory_space<vmem>>, vector<16xf32>,
        tpu.vector_store %arg10[%swap3A_458, %swap3A_459], %get3A_457 {add = true, strides = array<i32>} : memref<208x128xf32, #tpu.memory_space<vmem>>, vector<16xf32>,
        %get3A_461 = arith.index_cast %scan3A_448 : i32 to index
        %get3A_462 = arith.constant 32 : index
        %get3A_463 = tpu.vector_load %arg12[%get3A_461, %get3A_462] {strides = array<i32>} : memref<208x128xf32, #tpu.memory_space<vmem>>, vector<16xf32>,
        %swap3A_464 = arith.index_cast %scan3A_448 : i32 to index
        %swap3A_465 = arith.constant 32 : index
        %swap3A_466 = tpu.vector_load %arg10[%swap3A_464, %swap3A_465] {strides = array<i32>} : memref<208x128xf32, #tpu.memory_space<vmem>>, vector<16xf32>,
        tpu.vector_store %arg10[%swap3A_464, %swap3A_465], %get3A_463 {add = true, strides = array<i32>} : memref<208x128xf32, #tpu.memory_space<vmem>>, vector<16xf32>,
        %get3A_467 = arith.index_cast %scan3A_448 : i32 to index
        %get3A_468 = arith.constant 48 : index
        %get3A_469 = tpu.vector_load %arg12[%get3A_467, %get3A_468] {strides = array<i32>} : memref<208x128xf32, #tpu.memory_space<vmem>>, vector<16xf32>,
        %swap3A_470 = arith.index_cast %scan3A_448 : i32 to index
        %swap3A_471 = arith.constant 48 : index
        %swap3A_472 = tpu.vector_load %arg10[%swap3A_470, %swap3A_471] {strides = array<i32>} : memref<208x128xf32, #tpu.memory_space<vmem>>, vector<16xf32>,
        tpu.vector_store %arg10[%swap3A_470, %swap3A_471], %get3A_469 {add = true, strides = array<i32>} : memref<208x128xf32, #tpu.memory_space<vmem>>, vector<16xf32>,
        %get3A_473 = arith.index_cast %scan3A_448 : i32 to index
        %get3A_474 = arith.constant 64 : index
        %get3A_475 = tpu.vector_load %arg12[%get3A_473, %get3A_474] {strides = array<i32>} : memref<208x128xf32, #tpu.memory_space<vmem>>, vector<16xf32>,
        %swap3A_476 = arith.index_cast %scan3A_448 : i32 to index
        %swap3A_477 = arith.constant 64 : index
        %swap3A_478 = tpu.vector_load %arg10[%swap3A_476, %swap3A_477] {strides = array<i32>} : memref<208x128xf32, #tpu.memory_space<vmem>>, vector<16xf32>,
        tpu.vector_store %arg10[%swap3A_476, %swap3A_477], %get3A_475 {add = true, strides = array<i32>} : memref<208x128xf32, #tpu.memory_space<vmem>>, vector<16xf32>,
        %get3A_479 = arith.index_cast %scan3A_448 : i32 to index
        %get3A_480 = arith.constant 80 : index
        %get3A_481 = tpu.vector_load %arg12[%get3A_479, %get3A_480] {strides = array<i32>} : memref<208x128xf32, #tpu.memory_space<vmem>>, vector<16xf32>,
        %swap3A_482 = arith.index_cast %scan3A_448 : i32 to index
        %swap3A_483 = arith.constant 80 : index
        %swap3A_484 = tpu.vector_load %arg10[%swap3A_482, %swap3A_483] {strides = array<i32>} : memref<208x128xf32, #tpu.memory_space<vmem>>, vector<16xf32>,
        tpu.vector_store %arg10[%swap3A_482, %swap3A_483], %get3A_481 {add = true, strides = array<i32>} : memref<208x128xf32, #tpu.memory_space<vmem>>, vector<16xf32>,
        %get3A_485 = arith.index_cast %scan3A_448 : i32 to index
        %get3A_486 = arith.constant 96 : index
        %get3A_487 = tpu.vector_load %arg12[%get3A_485, %get3A_486] {strides = array<i32>} : memref<208x128xf32, #tpu.memory_space<vmem>>, vector<16xf32>,
        %swap3A_488 = arith.index_cast %scan3A_448 : i32 to index
        %swap3A_489 = arith.constant 96 : index
        %swap3A_490 = tpu.vector_load %arg10[%swap3A_488, %swap3A_489] {strides = array<i32>} : memref<208x128xf32, #tpu.memory_space<vmem>>, vector<16xf32>,
        tpu.vector_store %arg10[%swap3A_488, %swap3A_489], %get3A_487 {add = true, strides = array<i32>} : memref<208x128xf32, #tpu.memory_space<vmem>>, vector<16xf32>,
        %get3A_491 = arith.index_cast %scan3A_448 : i32 to index
        %get3A_492 = arith.constant 112 : index
        %get3A_493 = tpu.vector_load %arg12[%get3A_491, %get3A_492] {strides = array<i32>} : memref<208x128xf32, #tpu.memory_space<vmem>>, vector<16xf32>,
        %swap3A_494 = arith.index_cast %scan3A_448 : i32 to index
        %swap3A_495 = arith.constant 112 : index
        %swap3A_496 = tpu.vector_load %arg10[%swap3A_494, %swap3A_495] {strides = array<i32>} : memref<208x128xf32, #tpu.memory_space<vmem>>, vector<16xf32>,
        tpu.vector_store %arg10[%swap3A_494, %swap3A_495], %get3A_493 {add = true, strides = array<i32>} : memref<208x128xf32, #tpu.memory_space<vmem>>, vector<16xf32>,
      }
      %scan3A_386 = arith.constant 200 : i32
      %dma_start3A_387 = arith.constant 0 : i32
      %dma_start3A_388 = arith.constant 0 : i32
      %dma_start3A_389 = tpu.memref_slice %arg10[%dma_start3A_387, %dma_start3A_388] : memref<208x128xf32, #tpu.memory_space<vmem>> -> memref<200x128xf32, #tpu.memory_space<vmem>>
      %dma_start3A_390 = arith.constant 0 : i32
      %dma_start3A_391 = arith.constant 0 : i32
      %dma_start3A_392 = tpu.memref_slice %arg5[%add3A_358, %dma_start3A_390, %dma_start3A_391] : memref<1024x200x128xf32, #tpu.memory_space<hbm>> -> memref<1x200x128xf32, #tpu.memory_space<hbm>>
      %dma_start3A_393 = tpu.memref_squeeze %dma_start3A_392 : memref<1x200x128xf32, #tpu.memory_space<hbm>> -> memref<200x128xf32, #tpu.memory_space<hbm>>
      %dma_start3A_394 = arith.constant 0 : i32
      %dma_start3A_395 = arith.constant 0 : i32
      %dma_start3A_396 = tpu.memref_slice %arg5[%add3A_358, %dma_start3A_394, %dma_start3A_395] : memref<1024x200x128xf32, #tpu.memory_space<hbm>> -> memref<1x200x128xf32, #tpu.memory_space<hbm>>
      %dma_start3A_397 = tpu.memref_squeeze %dma_start3A_396 : memref<1x200x128xf32, #tpu.memory_space<hbm>> -> memref<200x128xf32, #tpu.memory_space<hbm>>
      %dma_start3A_398 = arith.constant 0 : i32
      %dma_start3A_399 = arith.constant 0 : i32
      %dma_start3A_400 = tpu.memref_slice %arg10[%dma_start3A_398, %dma_start3A_399] : memref<208x128xf32, #tpu.memory_space<vmem>> -> memref<200x128xf32, #tpu.memory_space<vmem>>
      tpu.enqueue_dma source(%dma_start3A_400 : memref<200x128xf32, #tpu.memory_space<vmem>>) target(%dma_start3A_397 : memref<200x128xf32, #tpu.memory_space<hbm>>) target_semaphore(%arg22 : memref<!tpu.dma_semaphore, #tpu.memory_space<semaphore_mem>>)
      %mul3A_401 = arith.constant 2 : i32
      %mul3A_402 = arith.muli %scan3A_353, %mul3A_401 : i32
      %add3A_403 = arith.constant 1 : i32
      %add3A_404 = arith.addi %mul3A_402, %add3A_403 : i32
      %add3A_405 = arith.addi %mul3A_2, %add3A_404 : i32
      %lt3A_406 = arith.constant 31 : i32
      %lt3A_407 = arith.cmpi slt, %add3A_404, %lt3A_406 : i32
      %convert_element_type3A_408 = arith.extui %lt3A_407 : i1 to i32
      %cond3A_409 = arith.constant 0 : i32
      %cond3A_410 = arith.cmpi ne, %convert_element_type3A_408, %cond3A_409 : i32
      scf.if %cond3A_410 {
        %dma_wait3A_448 = arith.constant 0 : i32
        %dma_wait3A_449 = tpu.memref_slice %arg6[%dma_wait3A_448] : memref<208xi32, #tpu.memory_space<vmem>> -> memref<200xi32, #tpu.memory_space<vmem>>
        %dma_wait3A_450 = arith.constant 0 : i32
        %dma_wait3A_451 = tpu.memref_slice %arg2[%dma_wait3A_450] : memref<204800xi32, #tpu.memory_space<hbm>> -> memref<200xi32, #tpu.memory_space<hbm>>
        %dma_wait3A_452 = arith.constant 0 : i32
        %dma_wait3A_453 = tpu.memref_slice %arg6[%dma_wait3A_452] : memref<208xi32, #tpu.memory_space<vmem>> -> memref<200xi32, #tpu.memory_space<vmem>>
        %dma_wait3A_454 = arith.constant 0 : i32
        %dma_wait3A_455 = tpu.memref_slice %arg2[%dma_wait3A_454] : memref<204800xi32, #tpu.memory_space<hbm>> -> memref<200xi32, #tpu.memory_space<hbm>>
        tpu.wait_dma2 semaphore(%arg16 : memref<!tpu.dma_semaphore, #tpu.memory_space<semaphore_mem>>) src(%dma_wait3A_455 : memref<200xi32, #tpu.memory_space<hbm>>) dst(%dma_wait3A_453 : memref<200xi32, #tpu.memory_space<vmem>>)
        %gt3A = arith.constant 0 : i32
        %gt3A_456 = arith.cmpi sgt, %add3A_404, %gt3A : i32
        %convert_element_type3A_457 = arith.extui %gt3A_456 : i1 to i32
        %cond3A_458 = arith.constant 0 : i32
        %cond3A_459 = arith.cmpi ne, %convert_element_type3A_457, %cond3A_458 : i32
        scf.if %cond3A_459 {
          %dma_wait3A_745 = arith.constant 0 : i32
          %dma_wait3A_746 = arith.constant 0 : i32
          %dma_wait3A_747 = tpu.memref_slice %arg10[%dma_wait3A_745, %dma_wait3A_746] : memref<208x128xf32, #tpu.memory_space<vmem>> -> memref<200x128xf32, #tpu.memory_space<vmem>>
          %dma_wait3A_748 = arith.constant 0 : i32
          %dma_wait3A_749 = arith.constant 0 : i32
          %dma_wait3A_750 = tpu.memref_slice %arg5[%add3A_405, %dma_wait3A_748, %dma_wait3A_749] : memref<1024x200x128xf32, #tpu.memory_space<hbm>> -> memref<1x200x128xf32, #tpu.memory_space<hbm>>
          %dma_wait3A_751 = tpu.memref_squeeze %dma_wait3A_750 : memref<1x200x128xf32, #tpu.memory_space<hbm>> -> memref<200x128xf32, #tpu.memory_space<hbm>>
          %dma_wait3A_752 = arith.constant 0 : i32
          %dma_wait3A_753 = arith.constant 0 : i32
          %dma_wait3A_754 = tpu.memref_slice %arg5[%add3A_405, %dma_wait3A_752, %dma_wait3A_753] : memref<1024x200x128xf32, #tpu.memory_space<hbm>> -> memref<1x200x128xf32, #tpu.memory_space<hbm>>
          %dma_wait3A_755 = tpu.memref_squeeze %dma_wait3A_754 : memref<1x200x128xf32, #tpu.memory_space<hbm>> -> memref<200x128xf32, #tpu.memory_space<hbm>>
          %dma_wait3A_756 = arith.constant 0 : i32
          %dma_wait3A_757 = arith.constant 0 : i32
          %dma_wait3A_758 = tpu.memref_slice %arg10[%dma_wait3A_756, %dma_wait3A_757] : memref<208x128xf32, #tpu.memory_space<vmem>> -> memref<200x128xf32, #tpu.memory_space<vmem>>
          tpu.wait_dma2 semaphore(%arg22 : memref<!tpu.dma_semaphore, #tpu.memory_space<semaphore_mem>>) src(%dma_wait3A_758 : memref<200x128xf32, #tpu.memory_space<vmem>>) dst(%dma_wait3A_755 : memref<200x128xf32, #tpu.memory_space<hbm>>)
        } else {
        }
        %get3A_460 = arith.constant 0 : index
        %get3A_461 = tpu.vector_load %arg6[%get3A_460] {strides = array<i32>} : memref<208xi32, #tpu.memory_space<vmem>>, vector<16xi32>,
        %ne3A_462 = arith.constant 0 : i32
        %ne3A_463 = vector.broadcast %ne3A_462 : i32 to vector<16xi32>
        %ne3A_464 = arith.cmpi ne, %get3A_461, %ne3A_463 : vector<16xi32>
        %select_n3A_465 = arith.select %ne3A_464, %broadcast_in_dim3A_3, %broadcast_in_dim3A_5 : vector<16xi1>, vector<16xi32>
        %broadcast_in_dim3A_466 = arith.constant true
        %broadcast_in_dim3A_467 = vector.broadcast %broadcast_in_dim3A_466 : i1 to vector<16xi1>
        %masked_cumsum3A_468 = tpu.scan <sum>, %select_n3A_465 masked %broadcast_in_dim3A_467 : vector<16xi32>, vector<16xi1> -> vector<16xi32>
        %add3A_469 = arith.addi %masked_cumsum3A_468, %broadcast_in_dim3A_5 : vector<16xi32>
        %mul3A_470 = arith.muli %add3A_469, %select_n3A_465 : vector<16xi32>
        %swap3A_471 = arith.constant 0 : index
        %swap3A_472 = tpu.vector_load %arg8[%swap3A_471] {strides = array<i32>} : memref<208xi32, #tpu.memory_space<vmem>>, vector<16xi32>,
        tpu.vector_store %arg8[%swap3A_471], %mul3A_470 {strides = array<i32>} : memref<208xi32, #tpu.memory_space<vmem>>, vector<16xi32>,
        %reduce_sum3A_473 = arith.constant true
        %reduce_sum3A_474 = vector.broadcast %reduce_sum3A_473 : i1 to vector<16xi1>
        %reduce_sum3A_475 = tpu.scan <sum>, %select_n3A_465 masked %reduce_sum3A_474 : vector<16xi32>, vector<16xi1> -> vector<16xi32>
        %reduce_sum3A_476 = vector.extract %reduce_sum3A_475[15] : i32 from vector<16xi32>
        %broadcast_in_dim3A_477 = vector.broadcast %reduce_sum3A_476 : i32 to vector<16xi32>
        %add3A_478 = arith.addi %broadcast_in_dim3A_5, %broadcast_in_dim3A_477 : vector<16xi32>
        %get3A_479 = arith.constant 16 : index
        %get3A_480 = tpu.vector_load %arg6[%get3A_479] {strides = array<i32>} : memref<208xi32, #tpu.memory_space<vmem>>, vector<16xi32>,
        %ne3A_481 = arith.constant 0 : i32
        %ne3A_482 = vector.broadcast %ne3A_481 : i32 to vector<16xi32>
        %ne3A_483 = arith.cmpi ne, %get3A_480, %ne3A_482 : vector<16xi32>
        %select_n3A_484 = arith.select %ne3A_483, %broadcast_in_dim3A_3, %broadcast_in_dim3A_5 : vector<16xi1>, vector<16xi32>
        %broadcast_in_dim3A_485 = arith.constant true
        %broadcast_in_dim3A_486 = vector.broadcast %broadcast_in_dim3A_485 : i1 to vector<16xi1>
        %masked_cumsum3A_487 = tpu.scan <sum>, %select_n3A_484 masked %broadcast_in_dim3A_486 : vector<16xi32>, vector<16xi1> -> vector<16xi32>
        %add3A_488 = arith.addi %masked_cumsum3A_487, %add3A_478 : vector<16xi32>
        %mul3A_489 = arith.muli %add3A_488, %select_n3A_484 : vector<16xi32>
        %swap3A_490 = arith.constant 16 : index
        %swap3A_491 = tpu.vector_load %arg8[%swap3A_490] {strides = array<i32>} : memref<208xi32, #tpu.memory_space<vmem>>, vector<16xi32>,
        tpu.vector_store %arg8[%swap3A_490], %mul3A_489 {strides = array<i32>} : memref<208xi32, #tpu.memory_space<vmem>>, vector<16xi32>,
        %reduce_sum3A_492 = arith.constant true
        %reduce_sum3A_493 = vector.broadcast %reduce_sum3A_492 : i1 to vector<16xi1>
        %reduce_sum3A_494 = tpu.scan <sum>, %select_n3A_484 masked %reduce_sum3A_493 : vector<16xi32>, vector<16xi1> -> vector<16xi32>
        %reduce_sum3A_495 = vector.extract %reduce_sum3A_494[15] : i32 from vector<16xi32>
        %broadcast_in_dim3A_496 = vector.broadcast %reduce_sum3A_495 : i32 to vector<16xi32>
        %add3A_497 = arith.addi %add3A_478, %broadcast_in_dim3A_496 : vector<16xi32>
        %get3A_498 = arith.constant 32 : index
        %get3A_499 = tpu.vector_load %arg6[%get3A_498] {strides = array<i32>} : memref<208xi32, #tpu.memory_space<vmem>>, vector<16xi32>,
        %ne3A_500 = arith.constant 0 : i32
        %ne3A_501 = vector.broadcast %ne3A_500 : i32 to vector<16xi32>
        %ne3A_502 = arith.cmpi ne, %get3A_499, %ne3A_501 : vector<16xi32>
        %select_n3A_503 = arith.select %ne3A_502, %broadcast_in_dim3A_3, %broadcast_in_dim3A_5 : vector<16xi1>, vector<16xi32>
        %broadcast_in_dim3A_504 = arith.constant true
        %broadcast_in_dim3A_505 = vector.broadcast %broadcast_in_dim3A_504 : i1 to vector<16xi1>
        %masked_cumsum3A_506 = tpu.scan <sum>, %select_n3A_503 masked %broadcast_in_dim3A_505 : vector<16xi32>, vector<16xi1> -> vector<16xi32>
        %add3A_507 = arith.addi %masked_cumsum3A_506, %add3A_497 : vector<16xi32>
        %mul3A_508 = arith.muli %add3A_507, %select_n3A_503 : vector<16xi32>
        %swap3A_509 = arith.constant 32 : index
        %swap3A_510 = tpu.vector_load %arg8[%swap3A_509] {strides = array<i32>} : memref<208xi32, #tpu.memory_space<vmem>>, vector<16xi32>,
        tpu.vector_store %arg8[%swap3A_509], %mul3A_508 {strides = array<i32>} : memref<208xi32, #tpu.memory_space<vmem>>, vector<16xi32>,
        %reduce_sum3A_511 = arith.constant true
        %reduce_sum3A_512 = vector.broadcast %reduce_sum3A_511 : i1 to vector<16xi1>
        %reduce_sum3A_513 = tpu.scan <sum>, %select_n3A_503 masked %reduce_sum3A_512 : vector<16xi32>, vector<16xi1> -> vector<16xi32>
        %reduce_sum3A_514 = vector.extract %reduce_sum3A_513[15] : i32 from vector<16xi32>
        %broadcast_in_dim3A_515 = vector.broadcast %reduce_sum3A_514 : i32 to vector<16xi32>
        %add3A_516 = arith.addi %add3A_497, %broadcast_in_dim3A_515 : vector<16xi32>
        %get3A_517 = arith.constant 48 : index
        %get3A_518 = tpu.vector_load %arg6[%get3A_517] {strides = array<i32>} : memref<208xi32, #tpu.memory_space<vmem>>, vector<16xi32>,
        %ne3A_519 = arith.constant 0 : i32
        %ne3A_520 = vector.broadcast %ne3A_519 : i32 to vector<16xi32>
        %ne3A_521 = arith.cmpi ne, %get3A_518, %ne3A_520 : vector<16xi32>
        %select_n3A_522 = arith.select %ne3A_521, %broadcast_in_dim3A_3, %broadcast_in_dim3A_5 : vector<16xi1>, vector<16xi32>
        %broadcast_in_dim3A_523 = arith.constant true
        %broadcast_in_dim3A_524 = vector.broadcast %broadcast_in_dim3A_523 : i1 to vector<16xi1>
        %masked_cumsum3A_525 = tpu.scan <sum>, %select_n3A_522 masked %broadcast_in_dim3A_524 : vector<16xi32>, vector<16xi1> -> vector<16xi32>
        %add3A_526 = arith.addi %masked_cumsum3A_525, %add3A_516 : vector<16xi32>
        %mul3A_527 = arith.muli %add3A_526, %select_n3A_522 : vector<16xi32>
        %swap3A_528 = arith.constant 48 : index
        %swap3A_529 = tpu.vector_load %arg8[%swap3A_528] {strides = array<i32>} : memref<208xi32, #tpu.memory_space<vmem>>, vector<16xi32>,
        tpu.vector_store %arg8[%swap3A_528], %mul3A_527 {strides = array<i32>} : memref<208xi32, #tpu.memory_space<vmem>>, vector<16xi32>,
        %reduce_sum3A_530 = arith.constant true
        %reduce_sum3A_531 = vector.broadcast %reduce_sum3A_530 : i1 to vector<16xi1>
        %reduce_sum3A_532 = tpu.scan <sum>, %select_n3A_522 masked %reduce_sum3A_531 : vector<16xi32>, vector<16xi1> -> vector<16xi32>
        %reduce_sum3A_533 = vector.extract %reduce_sum3A_532[15] : i32 from vector<16xi32>
        %broadcast_in_dim3A_534 = vector.broadcast %reduce_sum3A_533 : i32 to vector<16xi32>
        %add3A_535 = arith.addi %add3A_516, %broadcast_in_dim3A_534 : vector<16xi32>
        %get3A_536 = arith.constant 64 : index
        %get3A_537 = tpu.vector_load %arg6[%get3A_536] {strides = array<i32>} : memref<208xi32, #tpu.memory_space<vmem>>, vector<16xi32>,
        %ne3A_538 = arith.constant 0 : i32
        %ne3A_539 = vector.broadcast %ne3A_538 : i32 to vector<16xi32>
        %ne3A_540 = arith.cmpi ne, %get3A_537, %ne3A_539 : vector<16xi32>
        %select_n3A_541 = arith.select %ne3A_540, %broadcast_in_dim3A_3, %broadcast_in_dim3A_5 : vector<16xi1>, vector<16xi32>
        %broadcast_in_dim3A_542 = arith.constant true
        %broadcast_in_dim3A_543 = vector.broadcast %broadcast_in_dim3A_542 : i1 to vector<16xi1>
        %masked_cumsum3A_544 = tpu.scan <sum>, %select_n3A_541 masked %broadcast_in_dim3A_543 : vector<16xi32>, vector<16xi1> -> vector<16xi32>
        %add3A_545 = arith.addi %masked_cumsum3A_544, %add3A_535 : vector<16xi32>
        %mul3A_546 = arith.muli %add3A_545, %select_n3A_541 : vector<16xi32>
        %swap3A_547 = arith.constant 64 : index
        %swap3A_548 = tpu.vector_load %arg8[%swap3A_547] {strides = array<i32>} : memref<208xi32, #tpu.memory_space<vmem>>, vector<16xi32>,
        tpu.vector_store %arg8[%swap3A_547], %mul3A_546 {strides = array<i32>} : memref<208xi32, #tpu.memory_space<vmem>>, vector<16xi32>,
        %reduce_sum3A_549 = arith.constant true
        %reduce_sum3A_550 = vector.broadcast %reduce_sum3A_549 : i1 to vector<16xi1>
        %reduce_sum3A_551 = tpu.scan <sum>, %select_n3A_541 masked %reduce_sum3A_550 : vector<16xi32>, vector<16xi1> -> vector<16xi32>
        %reduce_sum3A_552 = vector.extract %reduce_sum3A_551[15] : i32 from vector<16xi32>
        %broadcast_in_dim3A_553 = vector.broadcast %reduce_sum3A_552 : i32 to vector<16xi32>
        %add3A_554 = arith.addi %add3A_535, %broadcast_in_dim3A_553 : vector<16xi32>
        %get3A_555 = arith.constant 80 : index
        %get3A_556 = tpu.vector_load %arg6[%get3A_555] {strides = array<i32>} : memref<208xi32, #tpu.memory_space<vmem>>, vector<16xi32>,
        %ne3A_557 = arith.constant 0 : i32
        %ne3A_558 = vector.broadcast %ne3A_557 : i32 to vector<16xi32>
        %ne3A_559 = arith.cmpi ne, %get3A_556, %ne3A_558 : vector<16xi32>
        %select_n3A_560 = arith.select %ne3A_559, %broadcast_in_dim3A_3, %broadcast_in_dim3A_5 : vector<16xi1>, vector<16xi32>
        %broadcast_in_dim3A_561 = arith.constant true
        %broadcast_in_dim3A_562 = vector.broadcast %broadcast_in_dim3A_561 : i1 to vector<16xi1>
        %masked_cumsum3A_563 = tpu.scan <sum>, %select_n3A_560 masked %broadcast_in_dim3A_562 : vector<16xi32>, vector<16xi1> -> vector<16xi32>
        %add3A_564 = arith.addi %masked_cumsum3A_563, %add3A_554 : vector<16xi32>
        %mul3A_565 = arith.muli %add3A_564, %select_n3A_560 : vector<16xi32>
        %swap3A_566 = arith.constant 80 : index
        %swap3A_567 = tpu.vector_load %arg8[%swap3A_566] {strides = array<i32>} : memref<208xi32, #tpu.memory_space<vmem>>, vector<16xi32>,
        tpu.vector_store %arg8[%swap3A_566], %mul3A_565 {strides = array<i32>} : memref<208xi32, #tpu.memory_space<vmem>>, vector<16xi32>,
        %reduce_sum3A_568 = arith.constant true
        %reduce_sum3A_569 = vector.broadcast %reduce_sum3A_568 : i1 to vector<16xi1>
        %reduce_sum3A_570 = tpu.scan <sum>, %select_n3A_560 masked %reduce_sum3A_569 : vector<16xi32>, vector<16xi1> -> vector<16xi32>
        %reduce_sum3A_571 = vector.extract %reduce_sum3A_570[15] : i32 from vector<16xi32>
        %broadcast_in_dim3A_572 = vector.broadcast %reduce_sum3A_571 : i32 to vector<16xi32>
        %add3A_573 = arith.addi %add3A_554, %broadcast_in_dim3A_572 : vector<16xi32>
        %get3A_574 = arith.constant 96 : index
        %get3A_575 = tpu.vector_load %arg6[%get3A_574] {strides = array<i32>} : memref<208xi32, #tpu.memory_space<vmem>>, vector<16xi32>,
        %ne3A_576 = arith.constant 0 : i32
        %ne3A_577 = vector.broadcast %ne3A_576 : i32 to vector<16xi32>
        %ne3A_578 = arith.cmpi ne, %get3A_575, %ne3A_577 : vector<16xi32>
        %select_n3A_579 = arith.select %ne3A_578, %broadcast_in_dim3A_3, %broadcast_in_dim3A_5 : vector<16xi1>, vector<16xi32>
        %broadcast_in_dim3A_580 = arith.constant true
        %broadcast_in_dim3A_581 = vector.broadcast %broadcast_in_dim3A_580 : i1 to vector<16xi1>
        %masked_cumsum3A_582 = tpu.scan <sum>, %select_n3A_579 masked %broadcast_in_dim3A_581 : vector<16xi32>, vector<16xi1> -> vector<16xi32>
        %add3A_583 = arith.addi %masked_cumsum3A_582, %add3A_573 : vector<16xi32>
        %mul3A_584 = arith.muli %add3A_583, %select_n3A_579 : vector<16xi32>
        %swap3A_585 = arith.constant 96 : index
        %swap3A_586 = tpu.vector_load %arg8[%swap3A_585] {strides = array<i32>} : memref<208xi32, #tpu.memory_space<vmem>>, vector<16xi32>,
        tpu.vector_store %arg8[%swap3A_585], %mul3A_584 {strides = array<i32>} : memref<208xi32, #tpu.memory_space<vmem>>, vector<16xi32>,
        %reduce_sum3A_587 = arith.constant true
        %reduce_sum3A_588 = vector.broadcast %reduce_sum3A_587 : i1 to vector<16xi1>
        %reduce_sum3A_589 = tpu.scan <sum>, %select_n3A_579 masked %reduce_sum3A_588 : vector<16xi32>, vector<16xi1> -> vector<16xi32>
        %reduce_sum3A_590 = vector.extract %reduce_sum3A_589[15] : i32 from vector<16xi32>
        %broadcast_in_dim3A_591 = vector.broadcast %reduce_sum3A_590 : i32 to vector<16xi32>
        %add3A_592 = arith.addi %add3A_573, %broadcast_in_dim3A_591 : vector<16xi32>
        %get3A_593 = arith.constant 112 : index
        %get3A_594 = tpu.vector_load %arg6[%get3A_593] {strides = array<i32>} : memref<208xi32, #tpu.memory_space<vmem>>, vector<16xi32>,
        %ne3A_595 = arith.constant 0 : i32
        %ne3A_596 = vector.broadcast %ne3A_595 : i32 to vector<16xi32>
        %ne3A_597 = arith.cmpi ne, %get3A_594, %ne3A_596 : vector<16xi32>
        %select_n3A_598 = arith.select %ne3A_597, %broadcast_in_dim3A_3, %broadcast_in_dim3A_5 : vector<16xi1>, vector<16xi32>
        %broadcast_in_dim3A_599 = arith.constant true
        %broadcast_in_dim3A_600 = vector.broadcast %broadcast_in_dim3A_599 : i1 to vector<16xi1>
        %masked_cumsum3A_601 = tpu.scan <sum>, %select_n3A_598 masked %broadcast_in_dim3A_600 : vector<16xi32>, vector<16xi1> -> vector<16xi32>
        %add3A_602 = arith.addi %masked_cumsum3A_601, %add3A_592 : vector<16xi32>
        %mul3A_603 = arith.muli %add3A_602, %select_n3A_598 : vector<16xi32>
        %swap3A_604 = arith.constant 112 : index
        %swap3A_605 = tpu.vector_load %arg8[%swap3A_604] {strides = array<i32>} : memref<208xi32, #tpu.memory_space<vmem>>, vector<16xi32>,
        tpu.vector_store %arg8[%swap3A_604], %mul3A_603 {strides = array<i32>} : memref<208xi32, #tpu.memory_space<vmem>>, vector<16xi32>,
        %reduce_sum3A_606 = arith.constant true
        %reduce_sum3A_607 = vector.broadcast %reduce_sum3A_606 : i1 to vector<16xi1>
        %reduce_sum3A_608 = tpu.scan <sum>, %select_n3A_598 masked %reduce_sum3A_607 : vector<16xi32>, vector<16xi1> -> vector<16xi32>
        %reduce_sum3A_609 = vector.extract %reduce_sum3A_608[15] : i32 from vector<16xi32>
        %broadcast_in_dim3A_610 = vector.broadcast %reduce_sum3A_609 : i32 to vector<16xi32>
        %add3A_611 = arith.addi %add3A_592, %broadcast_in_dim3A_610 : vector<16xi32>
        %get3A_612 = arith.constant 128 : index
        %get3A_613 = tpu.vector_load %arg6[%get3A_612] {strides = array<i32>} : memref<208xi32, #tpu.memory_space<vmem>>, vector<16xi32>,
        %ne3A_614 = arith.constant 0 : i32
        %ne3A_615 = vector.broadcast %ne3A_614 : i32 to vector<16xi32>
        %ne3A_616 = arith.cmpi ne, %get3A_613, %ne3A_615 : vector<16xi32>
        %select_n3A_617 = arith.select %ne3A_616, %broadcast_in_dim3A_3, %broadcast_in_dim3A_5 : vector<16xi1>, vector<16xi32>
        %broadcast_in_dim3A_618 = arith.constant true
        %broadcast_in_dim3A_619 = vector.broadcast %broadcast_in_dim3A_618 : i1 to vector<16xi1>
        %masked_cumsum3A_620 = tpu.scan <sum>, %select_n3A_617 masked %broadcast_in_dim3A_619 : vector<16xi32>, vector<16xi1> -> vector<16xi32>
        %add3A_621 = arith.addi %masked_cumsum3A_620, %add3A_611 : vector<16xi32>
        %mul3A_622 = arith.muli %add3A_621, %select_n3A_617 : vector<16xi32>
        %swap3A_623 = arith.constant 128 : index
        %swap3A_624 = tpu.vector_load %arg8[%swap3A_623] {strides = array<i32>} : memref<208xi32, #tpu.memory_space<vmem>>, vector<16xi32>,
        tpu.vector_store %arg8[%swap3A_623], %mul3A_622 {strides = array<i32>} : memref<208xi32, #tpu.memory_space<vmem>>, vector<16xi32>,
        %reduce_sum3A_625 = arith.constant true
        %reduce_sum3A_626 = vector.broadcast %reduce_sum3A_625 : i1 to vector<16xi1>
        %reduce_sum3A_627 = tpu.scan <sum>, %select_n3A_617 masked %reduce_sum3A_626 : vector<16xi32>, vector<16xi1> -> vector<16xi32>
        %reduce_sum3A_628 = vector.extract %reduce_sum3A_627[15] : i32 from vector<16xi32>
        %broadcast_in_dim3A_629 = vector.broadcast %reduce_sum3A_628 : i32 to vector<16xi32>
        %add3A_630 = arith.addi %add3A_611, %broadcast_in_dim3A_629 : vector<16xi32>
        %get3A_631 = arith.constant 144 : index
        %get3A_632 = tpu.vector_load %arg6[%get3A_631] {strides = array<i32>} : memref<208xi32, #tpu.memory_space<vmem>>, vector<16xi32>,
        %ne3A_633 = arith.constant 0 : i32
        %ne3A_634 = vector.broadcast %ne3A_633 : i32 to vector<16xi32>
        %ne3A_635 = arith.cmpi ne, %get3A_632, %ne3A_634 : vector<16xi32>
        %select_n3A_636 = arith.select %ne3A_635, %broadcast_in_dim3A_3, %broadcast_in_dim3A_5 : vector<16xi1>, vector<16xi32>
        %broadcast_in_dim3A_637 = arith.constant true
        %broadcast_in_dim3A_638 = vector.broadcast %broadcast_in_dim3A_637 : i1 to vector<16xi1>
        %masked_cumsum3A_639 = tpu.scan <sum>, %select_n3A_636 masked %broadcast_in_dim3A_638 : vector<16xi32>, vector<16xi1> -> vector<16xi32>
        %add3A_640 = arith.addi %masked_cumsum3A_639, %add3A_630 : vector<16xi32>
        %mul3A_641 = arith.muli %add3A_640, %select_n3A_636 : vector<16xi32>
        %swap3A_642 = arith.constant 144 : index
        %swap3A_643 = tpu.vector_load %arg8[%swap3A_642] {strides = array<i32>} : memref<208xi32, #tpu.memory_space<vmem>>, vector<16xi32>,
        tpu.vector_store %arg8[%swap3A_642], %mul3A_641 {strides = array<i32>} : memref<208xi32, #tpu.memory_space<vmem>>, vector<16xi32>,
        %reduce_sum3A_644 = arith.constant true
        %reduce_sum3A_645 = vector.broadcast %reduce_sum3A_644 : i1 to vector<16xi1>
        %reduce_sum3A_646 = tpu.scan <sum>, %select_n3A_636 masked %reduce_sum3A_645 : vector<16xi32>, vector<16xi1> -> vector<16xi32>
        %reduce_sum3A_647 = vector.extract %reduce_sum3A_646[15] : i32 from vector<16xi32>
        %broadcast_in_dim3A_648 = vector.broadcast %reduce_sum3A_647 : i32 to vector<16xi32>
        %add3A_649 = arith.addi %add3A_630, %broadcast_in_dim3A_648 : vector<16xi32>
        %get3A_650 = arith.constant 160 : index
        %get3A_651 = tpu.vector_load %arg6[%get3A_650] {strides = array<i32>} : memref<208xi32, #tpu.memory_space<vmem>>, vector<16xi32>,
        %ne3A_652 = arith.constant 0 : i32
        %ne3A_653 = vector.broadcast %ne3A_652 : i32 to vector<16xi32>
        %ne3A_654 = arith.cmpi ne, %get3A_651, %ne3A_653 : vector<16xi32>
        %select_n3A_655 = arith.select %ne3A_654, %broadcast_in_dim3A_3, %broadcast_in_dim3A_5 : vector<16xi1>, vector<16xi32>
        %broadcast_in_dim3A_656 = arith.constant true
        %broadcast_in_dim3A_657 = vector.broadcast %broadcast_in_dim3A_656 : i1 to vector<16xi1>
        %masked_cumsum3A_658 = tpu.scan <sum>, %select_n3A_655 masked %broadcast_in_dim3A_657 : vector<16xi32>, vector<16xi1> -> vector<16xi32>
        %add3A_659 = arith.addi %masked_cumsum3A_658, %add3A_649 : vector<16xi32>
        %mul3A_660 = arith.muli %add3A_659, %select_n3A_655 : vector<16xi32>
        %swap3A_661 = arith.constant 160 : index
        %swap3A_662 = tpu.vector_load %arg8[%swap3A_661] {strides = array<i32>} : memref<208xi32, #tpu.memory_space<vmem>>, vector<16xi32>,
        tpu.vector_store %arg8[%swap3A_661], %mul3A_660 {strides = array<i32>} : memref<208xi32, #tpu.memory_space<vmem>>, vector<16xi32>,
        %reduce_sum3A_663 = arith.constant true
        %reduce_sum3A_664 = vector.broadcast %reduce_sum3A_663 : i1 to vector<16xi1>
        %reduce_sum3A_665 = tpu.scan <sum>, %select_n3A_655 masked %reduce_sum3A_664 : vector<16xi32>, vector<16xi1> -> vector<16xi32>
        %reduce_sum3A_666 = vector.extract %reduce_sum3A_665[15] : i32 from vector<16xi32>
        %broadcast_in_dim3A_667 = vector.broadcast %reduce_sum3A_666 : i32 to vector<16xi32>
        %add3A_668 = arith.addi %add3A_649, %broadcast_in_dim3A_667 : vector<16xi32>
        %get3A_669 = arith.constant 176 : index
        %get3A_670 = tpu.vector_load %arg6[%get3A_669] {strides = array<i32>} : memref<208xi32, #tpu.memory_space<vmem>>, vector<16xi32>,
        %ne3A_671 = arith.constant 0 : i32
        %ne3A_672 = vector.broadcast %ne3A_671 : i32 to vector<16xi32>
        %ne3A_673 = arith.cmpi ne, %get3A_670, %ne3A_672 : vector<16xi32>
        %select_n3A_674 = arith.select %ne3A_673, %broadcast_in_dim3A_3, %broadcast_in_dim3A_5 : vector<16xi1>, vector<16xi32>
        %broadcast_in_dim3A_675 = arith.constant true
        %broadcast_in_dim3A_676 = vector.broadcast %broadcast_in_dim3A_675 : i1 to vector<16xi1>
        %masked_cumsum3A_677 = tpu.scan <sum>, %select_n3A_674 masked %broadcast_in_dim3A_676 : vector<16xi32>, vector<16xi1> -> vector<16xi32>
        %add3A_678 = arith.addi %masked_cumsum3A_677, %add3A_668 : vector<16xi32>
        %mul3A_679 = arith.muli %add3A_678, %select_n3A_674 : vector<16xi32>
        %swap3A_680 = arith.constant 176 : index
        %swap3A_681 = tpu.vector_load %arg8[%swap3A_680] {strides = array<i32>} : memref<208xi32, #tpu.memory_space<vmem>>, vector<16xi32>,
        tpu.vector_store %arg8[%swap3A_680], %mul3A_679 {strides = array<i32>} : memref<208xi32, #tpu.memory_space<vmem>>, vector<16xi32>,
        %reduce_sum3A_682 = arith.constant true
        %reduce_sum3A_683 = vector.broadcast %reduce_sum3A_682 : i1 to vector<16xi1>
        %reduce_sum3A_684 = tpu.scan <sum>, %select_n3A_674 masked %reduce_sum3A_683 : vector<16xi32>, vector<16xi1> -> vector<16xi32>
        %reduce_sum3A_685 = vector.extract %reduce_sum3A_684[15] : i32 from vector<16xi32>
        %broadcast_in_dim3A_686 = vector.broadcast %reduce_sum3A_685 : i32 to vector<16xi32>
        %add3A_687 = arith.addi %add3A_668, %broadcast_in_dim3A_686 : vector<16xi32>
        %get3A_688 = arith.constant 192 : index
        %get3A_689 = tpu.vector_load %arg6[%get3A_688] {strides = array<i32>} : memref<208xi32, #tpu.memory_space<vmem>>, vector<16xi32>,
        %lt3A_690 = arith.constant 8 : i32
        %lt3A_691 = vector.broadcast %lt3A_690 : i32 to vector<16xi32>
        %lt3A_692 = arith.cmpi slt, %iota3A, %lt3A_691 : vector<16xi32>
        %select_n3A_693 = arith.select %lt3A_692, %get3A_689, %broadcast_in_dim3A_5 : vector<16xi1>, vector<16xi32>
        %swap3A_694 = arith.constant 192 : index
        %swap3A_695 = tpu.vector_load %arg6[%swap3A_694] {strides = array<i32>} : memref<208xi32, #tpu.memory_space<vmem>>, vector<16xi32>,
        tpu.vector_store %arg6[%swap3A_694], %select_n3A_693 {strides = array<i32>} : memref<208xi32, #tpu.memory_space<vmem>>, vector<16xi32>,
        %ne3A_696 = arith.constant 0 : i32
        %ne3A_697 = vector.broadcast %ne3A_696 : i32 to vector<16xi32>
        %ne3A_698 = arith.cmpi ne, %select_n3A_693, %ne3A_697 : vector<16xi32>
        %select_n3A_699 = arith.select %ne3A_698, %broadcast_in_dim3A_3, %broadcast_in_dim3A_5 : vector<16xi1>, vector<16xi32>
        %broadcast_in_dim3A_700 = arith.constant true
        %broadcast_in_dim3A_701 = vector.broadcast %broadcast_in_dim3A_700 : i1 to vector<16xi1>
        %masked_cumsum3A_702 = tpu.scan <sum>, %select_n3A_699 masked %broadcast_in_dim3A_701 : vector<16xi32>, vector<16xi1> -> vector<16xi32>
        %add3A_703 = arith.addi %masked_cumsum3A_702, %add3A_687 : vector<16xi32>
        %mul3A_704 = arith.muli %add3A_703, %select_n3A_699 : vector<16xi32>
        %swap3A_705 = arith.constant 192 : index
        %swap3A_706 = tpu.vector_load %arg8[%swap3A_705] {strides = array<i32>} : memref<208xi32, #tpu.memory_space<vmem>>, vector<16xi32>,
        tpu.vector_store %arg8[%swap3A_705], %mul3A_704 {strides = array<i32>} : memref<208xi32, #tpu.memory_space<vmem>>, vector<16xi32>,
        %reduce_sum3A_707 = arith.constant true
        %reduce_sum3A_708 = vector.broadcast %reduce_sum3A_707 : i1 to vector<16xi1>
        %reduce_sum3A_709 = tpu.scan <sum>, %select_n3A_699 masked %reduce_sum3A_708 : vector<16xi32>, vector<16xi1> -> vector<16xi32>
        %reduce_sum3A_710 = vector.extract %reduce_sum3A_709[15] : i32 from vector<16xi32>
        %broadcast_in_dim3A_711 = vector.broadcast %reduce_sum3A_710 : i32 to vector<16xi32>
        %add3A_712 = arith.addi %add3A_687, %broadcast_in_dim3A_711 : vector<16xi32>
        %dma_start3A_713 = arith.constant 0 : i32
        %dma_start3A_714 = arith.constant 0 : i32
        %dma_start3A_715 = tpu.memref_slice %arg10[%dma_start3A_713, %dma_start3A_714] : memref<208x128xf32, #tpu.memory_space<vmem>> -> memref<128x128xf32, #tpu.memory_space<vmem>>
        %dma_start3A_716 = arith.constant 0 : i32
        %dma_start3A_717 = tpu.memref_slice %arg6[%dma_start3A_716] : memref<208xi32, #tpu.memory_space<vmem>> -> memref<128xi32, #tpu.memory_space<vmem>>
        %dma_start3A_718 = arith.constant 0 : i32
        %dma_start3A_719 = arith.constant 0 : i32
        %dma_start3A_720 = tpu.memref_slice %arg14[%dma_start3A_718, %dma_start3A_719] : memref<1000x128xf32, #tpu.memory_space<vmem_shared>> -> memref<1000x128xf32, #tpu.memory_space<vmem_shared>>
        tpu.enqueue_indirect_dma source(%dma_start3A_720 : memref<1000x128xf32, #tpu.memory_space<vmem_shared>>) target(%dma_start3A_715 : memref<128x128xf32, #tpu.memory_space<vmem>>) offsets(%dma_start3A_717 : memref<128xi32, #tpu.memory_space<vmem>>) semaphore(%arg18 : memref<!tpu.dma_semaphore, #tpu.memory_space<semaphore_mem>>)
        %dma_start3A_721 = arith.constant 0 : i32
        %dma_start3A_722 = arith.constant 0 : i32
        %dma_start3A_723 = tpu.memref_slice %arg12[%dma_start3A_721, %dma_start3A_722] : memref<208x128xf32, #tpu.memory_space<vmem>> -> memref<128x128xf32, #tpu.memory_space<vmem>>
        %dma_start3A_724 = arith.constant 0 : i32
        %dma_start3A_725 = tpu.memref_slice %arg8[%dma_start3A_724] : memref<208xi32, #tpu.memory_space<vmem>> -> memref<128xi32, #tpu.memory_space<vmem>>
        %dma_start3A_726 = arith.constant 0 : i32
        %dma_start3A_727 = arith.constant 0 : i32
        %dma_start3A_728 = tpu.memref_slice %arg15[%dma_start3A_726, %dma_start3A_727] : memref<256x128xf32, #tpu.memory_space<vmem_shared>> -> memref<256x128xf32, #tpu.memory_space<vmem_shared>>
        tpu.enqueue_indirect_dma source(%dma_start3A_728 : memref<256x128xf32, #tpu.memory_space<vmem_shared>>) target(%dma_start3A_723 : memref<128x128xf32, #tpu.memory_space<vmem>>) offsets(%dma_start3A_725 : memref<128xi32, #tpu.memory_space<vmem>>) semaphore(%arg20 : memref<!tpu.dma_semaphore, #tpu.memory_space<semaphore_mem>>)
        %dma_start3A_729 = arith.constant 128 : i32
        %dma_start3A_730 = arith.constant 0 : i32
        %dma_start3A_731 = tpu.memref_slice %arg10[%dma_start3A_729, %dma_start3A_730] : memref<208x128xf32, #tpu.memory_space<vmem>> -> memref<80x128xf32, #tpu.memory_space<vmem>>
        %dma_start3A_732 = arith.constant 128 : i32
        %dma_start3A_733 = tpu.memref_slice %arg6[%dma_start3A_732] : memref<208xi32, #tpu.memory_space<vmem>> -> memref<80xi32, #tpu.memory_space<vmem>>
        %dma_start3A_734 = arith.constant 0 : i32
        %dma_start3A_735 = arith.constant 0 : i32
        %dma_start3A_736 = tpu.memref_slice %arg14[%dma_start3A_734, %dma_start3A_735] : memref<1000x128xf32, #tpu.memory_space<vmem_shared>> -> memref<1000x128xf32, #tpu.memory_space<vmem_shared>>
        tpu.enqueue_indirect_dma source(%dma_start3A_736 : memref<1000x128xf32, #tpu.memory_space<vmem_shared>>) target(%dma_start3A_731 : memref<80x128xf32, #tpu.memory_space<vmem>>) offsets(%dma_start3A_733 : memref<80xi32, #tpu.memory_space<vmem>>) semaphore(%arg18 : memref<!tpu.dma_semaphore, #tpu.memory_space<semaphore_mem>>)
        %dma_start3A_737 = arith.constant 128 : i32
        %dma_start3A_738 = arith.constant 0 : i32
        %dma_start3A_739 = tpu.memref_slice %arg12[%dma_start3A_737, %dma_start3A_738] : memref<208x128xf32, #tpu.memory_space<vmem>> -> memref<80x128xf32, #tpu.memory_space<vmem>>
        %dma_start3A_740 = arith.constant 128 : i32
        %dma_start3A_741 = tpu.memref_slice %arg8[%dma_start3A_740] : memref<208xi32, #tpu.memory_space<vmem>> -> memref<80xi32, #tpu.memory_space<vmem>>
        %dma_start3A_742 = arith.constant 0 : i32
        %dma_start3A_743 = arith.constant 0 : i32
        %dma_start3A_744 = tpu.memref_slice %arg15[%dma_start3A_742, %dma_start3A_743] : memref<256x128xf32, #tpu.memory_space<vmem_shared>> -> memref<256x128xf32, #tpu.memory_space<vmem_shared>>
        tpu.enqueue_indirect_dma source(%dma_start3A_744 : memref<256x128xf32, #tpu.memory_space<vmem_shared>>) target(%dma_start3A_739 : memref<80x128xf32, #tpu.memory_space<vmem>>) offsets(%dma_start3A_741 : memref<80xi32, #tpu.memory_space<vmem>>) semaphore(%arg20 : memref<!tpu.dma_semaphore, #tpu.memory_space<semaphore_mem>>)
      } else {
      }
      %dma_wait3A_411 = arith.constant 0 : i32
      %dma_wait3A_412 = arith.constant 0 : i32
      %dma_wait3A_413 = tpu.memref_slice %arg3[%dma_wait3A_411, %dma_wait3A_412] : memref<1000x128xf32, #tpu.memory_space<hbm>> -> memref<208x128xf32, #tpu.memory_space<hbm>>
      %dma_wait3A_414 = arith.constant 0 : i32
      %dma_wait3A_415 = arith.constant 0 : i32
      %dma_wait3A_416 = tpu.memref_slice %arg3[%dma_wait3A_414, %dma_wait3A_415] : memref<1000x128xf32, #tpu.memory_space<hbm>> -> memref<208x128xf32, #tpu.memory_space<hbm>>
      tpu.wait_dma2 semaphore(%arg19 : memref<!tpu.dma_semaphore, #tpu.memory_space<semaphore_mem>>) src(%dma_wait3A_416 : memref<208x128xf32, #tpu.memory_space<hbm>>) dst(%arg11 : memref<208x128xf32, #tpu.memory_space<vmem>>)
      %dma_wait3A_417 = arith.constant 0 : i32
      %dma_wait3A_418 = arith.constant 0 : i32
      %dma_wait3A_419 = tpu.memref_slice %arg4[%dma_wait3A_417, %dma_wait3A_418] : memref<256x128xf32, #tpu.memory_space<hbm>> -> memref<208x128xf32, #tpu.memory_space<hbm>>
      %dma_wait3A_420 = arith.constant 0 : i32
      %dma_wait3A_421 = arith.constant 0 : i32
      %dma_wait3A_422 = tpu.memref_slice %arg4[%dma_wait3A_420, %dma_wait3A_421] : memref<256x128xf32, #tpu.memory_space<hbm>> -> memref<208x128xf32, #tpu.memory_space<hbm>>
      tpu.wait_dma2 semaphore(%arg21 : memref<!tpu.dma_semaphore, #tpu.memory_space<semaphore_mem>>) src(%dma_wait3A_422 : memref<208x128xf32, #tpu.memory_space<hbm>>) dst(%arg13 : memref<208x128xf32, #tpu.memory_space<vmem>>)
      %lt3A_423 = arith.constant 30 : i32
      %lt3A_424 = arith.cmpi slt, %add3A_404, %lt3A_423 : i32
      %convert_element_type3A_425 = arith.extui %lt3A_424 : i1 to i32
      %cond3A_426 = arith.constant 0 : i32
      %cond3A_427 = arith.cmpi ne, %convert_element_type3A_425, %cond3A_426 : i32
      scf.if %cond3A_427 {
        %add3A_448 = arith.constant 2 : i32
        %add3A_449 = arith.addi %add3A_405, %add3A_448 : i32
        %mul3A_450 = arith.constant 200 : i32
        %mul3A_451 = arith.muli %add3A_449, %mul3A_450 : i32
        %dma_start3A_452 = arith.constant 0 : i32
        %dma_start3A_453 = tpu.memref_slice %arg7[%dma_start3A_452] : memref<208xi32, #tpu.memory_space<vmem>> -> memref<200xi32, #tpu.memory_space<vmem>>
        %dma_start3A_454 = tpu.memref_slice %arg2[%mul3A_451] : memref<204800xi32, #tpu.memory_space<hbm>> -> memref<200xi32, #tpu.memory_space<hbm>>
        %dma_start3A_455 = arith.constant 0 : i32
        %dma_start3A_456 = tpu.memref_slice %arg7[%dma_start3A_455] : memref<208xi32, #tpu.memory_space<vmem>> -> memref<200xi32, #tpu.memory_space<vmem>>
        %dma_start3A_457 = tpu.memref_slice %arg2[%mul3A_451] : memref<204800xi32, #tpu.memory_space<hbm>> -> memref<200xi32, #tpu.memory_space<hbm>>
        tpu.enqueue_dma source(%dma_start3A_457 : memref<200xi32, #tpu.memory_space<hbm>>) target(%dma_start3A_456 : memref<200xi32, #tpu.memory_space<vmem>>) target_semaphore(%arg17 : memref<!tpu.dma_semaphore, #tpu.memory_space<semaphore_mem>>)
      } else {
      }
      %scan3A_428 = arith.constant 0 : i32
      %scan3A_429 = arith.constant 0 : i32
      %scan3A_430 = arith.constant 200 : i32
      %scan3A_431 = arith.addi %scan3A_429, %scan3A_430 : i32
      %scan3A_432 = arith.constant 1 : i32
      scf.for %scan3A_448 = %scan3A_429 to %scan3A_431 step %scan3A_432  : i32 {
        %get3A_449 = arith.index_cast %scan3A_448 : i32 to index
        %get3A_450 = arith.constant 0 : index
        %get3A_451 = tpu.vector_load %arg13[%get3A_449, %get3A_450] {strides = array<i32>} : memref<208x128xf32, #tpu.memory_space<vmem>>, vector<16xf32>,
        %swap3A_452 = arith.index_cast %scan3A_448 : i32 to index
        %swap3A_453 = arith.constant 0 : index
        %swap3A_454 = tpu.vector_load %arg11[%swap3A_452, %swap3A_453] {strides = array<i32>} : memref<208x128xf32, #tpu.memory_space<vmem>>, vector<16xf32>,
        tpu.vector_store %arg11[%swap3A_452, %swap3A_453], %get3A_451 {add = true, strides = array<i32>} : memref<208x128xf32, #tpu.memory_space<vmem>>, vector<16xf32>,
        %get3A_455 = arith.index_cast %scan3A_448 : i32 to index
        %get3A_456 = arith.constant 16 : index
        %get3A_457 = tpu.vector_load %arg13[%get3A_455, %get3A_456] {strides = array<i32>} : memref<208x128xf32, #tpu.memory_space<vmem>>, vector<16xf32>,
        %swap3A_458 = arith.index_cast %scan3A_448 : i32 to index
        %swap3A_459 = arith.constant 16 : index
        %swap3A_460 = tpu.vector_load %arg11[%swap3A_458, %swap3A_459] {strides = array<i32>} : memref<208x128xf32, #tpu.memory_space<vmem>>, vector<16xf32>,
        tpu.vector_store %arg11[%swap3A_458, %swap3A_459], %get3A_457 {add = true, strides = array<i32>} : memref<208x128xf32, #tpu.memory_space<vmem>>, vector<16xf32>,
        %get3A_461 = arith.index_cast %scan3A_448 : i32 to index
        %get3A_462 = arith.constant 32 : index
        %get3A_463 = tpu.vector_load %arg13[%get3A_461, %get3A_462] {strides = array<i32>} : memref<208x128xf32, #tpu.memory_space<vmem>>, vector<16xf32>,
        %swap3A_464 = arith.index_cast %scan3A_448 : i32 to index
        %swap3A_465 = arith.constant 32 : index
        %swap3A_466 = tpu.vector_load %arg11[%swap3A_464, %swap3A_465] {strides = array<i32>} : memref<208x128xf32, #tpu.memory_space<vmem>>, vector<16xf32>,
        tpu.vector_store %arg11[%swap3A_464, %swap3A_465], %get3A_463 {add = true, strides = array<i32>} : memref<208x128xf32, #tpu.memory_space<vmem>>, vector<16xf32>,
        %get3A_467 = arith.index_cast %scan3A_448 : i32 to index
        %get3A_468 = arith.constant 48 : index
        %get3A_469 = tpu.vector_load %arg13[%get3A_467, %get3A_468] {strides = array<i32>} : memref<208x128xf32, #tpu.memory_space<vmem>>, vector<16xf32>,
        %swap3A_470 = arith.index_cast %scan3A_448 : i32 to index
        %swap3A_471 = arith.constant 48 : index
        %swap3A_472 = tpu.vector_load %arg11[%swap3A_470, %swap3A_471] {strides = array<i32>} : memref<208x128xf32, #tpu.memory_space<vmem>>, vector<16xf32>,
        tpu.vector_store %arg11[%swap3A_470, %swap3A_471], %get3A_469 {add = true, strides = array<i32>} : memref<208x128xf32, #tpu.memory_space<vmem>>, vector<16xf32>,
        %get3A_473 = arith.index_cast %scan3A_448 : i32 to index
        %get3A_474 = arith.constant 64 : index
        %get3A_475 = tpu.vector_load %arg13[%get3A_473, %get3A_474] {strides = array<i32>} : memref<208x128xf32, #tpu.memory_space<vmem>>, vector<16xf32>,
        %swap3A_476 = arith.index_cast %scan3A_448 : i32 to index
        %swap3A_477 = arith.constant 64 : index
        %swap3A_478 = tpu.vector_load %arg11[%swap3A_476, %swap3A_477] {strides = array<i32>} : memref<208x128xf32, #tpu.memory_space<vmem>>, vector<16xf32>,
        tpu.vector_store %arg11[%swap3A_476, %swap3A_477], %get3A_475 {add = true, strides = array<i32>} : memref<208x128xf32, #tpu.memory_space<vmem>>, vector<16xf32>,
        %get3A_479 = arith.index_cast %scan3A_448 : i32 to index
        %get3A_480 = arith.constant 80 : index
        %get3A_481 = tpu.vector_load %arg13[%get3A_479, %get3A_480] {strides = array<i32>} : memref<208x128xf32, #tpu.memory_space<vmem>>, vector<16xf32>,
        %swap3A_482 = arith.index_cast %scan3A_448 : i32 to index
        %swap3A_483 = arith.constant 80 : index
        %swap3A_484 = tpu.vector_load %arg11[%swap3A_482, %swap3A_483] {strides = array<i32>} : memref<208x128xf32, #tpu.memory_space<vmem>>, vector<16xf32>,
        tpu.vector_store %arg11[%swap3A_482, %swap3A_483], %get3A_481 {add = true, strides = array<i32>} : memref<208x128xf32, #tpu.memory_space<vmem>>, vector<16xf32>,
        %get3A_485 = arith.index_cast %scan3A_448 : i32 to index
        %get3A_486 = arith.constant 96 : index
        %get3A_487 = tpu.vector_load %arg13[%get3A_485, %get3A_486] {strides = array<i32>} : memref<208x128xf32, #tpu.memory_space<vmem>>, vector<16xf32>,
        %swap3A_488 = arith.index_cast %scan3A_448 : i32 to index
        %swap3A_489 = arith.constant 96 : index
        %swap3A_490 = tpu.vector_load %arg11[%swap3A_488, %swap3A_489] {strides = array<i32>} : memref<208x128xf32, #tpu.memory_space<vmem>>, vector<16xf32>,
        tpu.vector_store %arg11[%swap3A_488, %swap3A_489], %get3A_487 {add = true, strides = array<i32>} : memref<208x128xf32, #tpu.memory_space<vmem>>, vector<16xf32>,
        %get3A_491 = arith.index_cast %scan3A_448 : i32 to index
        %get3A_492 = arith.constant 112 : index
        %get3A_493 = tpu.vector_load %arg13[%get3A_491, %get3A_492] {strides = array<i32>} : memref<208x128xf32, #tpu.memory_space<vmem>>, vector<16xf32>,
        %swap3A_494 = arith.index_cast %scan3A_448 : i32 to index
        %swap3A_495 = arith.constant 112 : index
        %swap3A_496 = tpu.vector_load %arg11[%swap3A_494, %swap3A_495] {strides = array<i32>} : memref<208x128xf32, #tpu.memory_space<vmem>>, vector<16xf32>,
        tpu.vector_store %arg11[%swap3A_494, %swap3A_495], %get3A_493 {add = true, strides = array<i32>} : memref<208x128xf32, #tpu.memory_space<vmem>>, vector<16xf32>,
      }
      %scan3A_433 = arith.constant 200 : i32
      %dma_start3A_434 = arith.constant 0 : i32
      %dma_start3A_435 = arith.constant 0 : i32
      %dma_start3A_436 = tpu.memref_slice %arg11[%dma_start3A_434, %dma_start3A_435] : memref<208x128xf32, #tpu.memory_space<vmem>> -> memref<200x128xf32, #tpu.memory_space<vmem>>
      %dma_start3A_437 = arith.constant 0 : i32
      %dma_start3A_438 = arith.constant 0 : i32
      %dma_start3A_439 = tpu.memref_slice %arg5[%add3A_405, %dma_start3A_437, %dma_start3A_438] : memref<1024x200x128xf32, #tpu.memory_space<hbm>> -> memref<1x200x128xf32, #tpu.memory_space<hbm>>
      %dma_start3A_440 = tpu.memref_squeeze %dma_start3A_439 : memref<1x200x128xf32, #tpu.memory_space<hbm>> -> memref<200x128xf32, #tpu.memory_space<hbm>>
      %dma_start3A_441 = arith.constant 0 : i32
      %dma_start3A_442 = arith.constant 0 : i32
      %dma_start3A_443 = tpu.memref_slice %arg5[%add3A_405, %dma_start3A_441, %dma_start3A_442] : memref<1024x200x128xf32, #tpu.memory_space<hbm>> -> memref<1x200x128xf32, #tpu.memory_space<hbm>>
      %dma_start3A_444 = tpu.memref_squeeze %dma_start3A_443 : memref<1x200x128xf32, #tpu.memory_space<hbm>> -> memref<200x128xf32, #tpu.memory_space<hbm>>
      %dma_start3A_445 = arith.constant 0 : i32
      %dma_start3A_446 = arith.constant 0 : i32
      %dma_start3A_447 = tpu.memref_slice %arg11[%dma_start3A_445, %dma_start3A_446] : memref<208x128xf32, #tpu.memory_space<vmem>> -> memref<200x128xf32, #tpu.memory_space<vmem>>
      tpu.enqueue_dma source(%dma_start3A_447 : memref<200x128xf32, #tpu.memory_space<vmem>>) target(%dma_start3A_444 : memref<200x128xf32, #tpu.memory_space<hbm>>) target_semaphore(%arg23 : memref<!tpu.dma_semaphore, #tpu.memory_space<semaphore_mem>>)
    }
    %scan3A_317 = arith.constant 16 : i32
    %add3A_318 = arith.constant 32 : i32
    %add3A_319 = arith.addi %mul3A_2, %add3A_318 : i32
    %sub3A = arith.constant 2 : i32
    %sub3A_320 = arith.subi %add3A_319, %sub3A : i32
    %dma_wait3A_321 = arith.constant 0 : i32
    %dma_wait3A_322 = arith.constant 0 : i32
    %dma_wait3A_323 = tpu.memref_slice %arg10[%dma_wait3A_321, %dma_wait3A_322] : memref<208x128xf32, #tpu.memory_space<vmem>> -> memref<200x128xf32, #tpu.memory_space<vmem>>
    %dma_wait3A_324 = arith.constant 0 : i32
    %dma_wait3A_325 = arith.constant 0 : i32
    %dma_wait3A_326 = tpu.memref_slice %arg5[%sub3A_320, %dma_wait3A_324, %dma_wait3A_325] : memref<1024x200x128xf32, #tpu.memory_space<hbm>> -> memref<1x200x128xf32, #tpu.memory_space<hbm>>
    %dma_wait3A_327 = tpu.memref_squeeze %dma_wait3A_326 : memref<1x200x128xf32, #tpu.memory_space<hbm>> -> memref<200x128xf32, #tpu.memory_space<hbm>>
    %dma_wait3A_328 = arith.constant 0 : i32
    %dma_wait3A_329 = arith.constant 0 : i32
    %dma_wait3A_330 = tpu.memref_slice %arg5[%sub3A_320, %dma_wait3A_328, %dma_wait3A_329] : memref<1024x200x128xf32, #tpu.memory_space<hbm>> -> memref<1x200x128xf32, #tpu.memory_space<hbm>>
    %dma_wait3A_331 = tpu.memref_squeeze %dma_wait3A_330 : memref<1x200x128xf32, #tpu.memory_space<hbm>> -> memref<200x128xf32, #tpu.memory_space<hbm>>
    %dma_wait3A_332 = arith.constant 0 : i32
    %dma_wait3A_333 = arith.constant 0 : i32
    %dma_wait3A_334 = tpu.memref_slice %arg10[%dma_wait3A_332, %dma_wait3A_333] : memref<208x128xf32, #tpu.memory_space<vmem>> -> memref<200x128xf32, #tpu.memory_space<vmem>>
    tpu.wait_dma2 semaphore(%arg22 : memref<!tpu.dma_semaphore, #tpu.memory_space<semaphore_mem>>) src(%dma_wait3A_334 : memref<200x128xf32, #tpu.memory_space<vmem>>) dst(%dma_wait3A_331 : memref<200x128xf32, #tpu.memory_space<hbm>>)
    %add3A_335 = arith.constant 32 : i32
    %add3A_336 = arith.addi %mul3A_2, %add3A_335 : i32
    %sub3A_337 = arith.constant 1 : i32
    %sub3A_338 = arith.subi %add3A_336, %sub3A_337 : i32
    %dma_wait3A_339 = arith.constant 0 : i32
    %dma_wait3A_340 = arith.constant 0 : i32
    %dma_wait3A_341 = tpu.memref_slice %arg11[%dma_wait3A_339, %dma_wait3A_340] : memref<208x128xf32, #tpu.memory_space<vmem>> -> memref<200x128xf32, #tpu.memory_space<vmem>>
    %dma_wait3A_342 = arith.constant 0 : i32
    %dma_wait3A_343 = arith.constant 0 : i32
    %dma_wait3A_344 = tpu.memref_slice %arg5[%sub3A_338, %dma_wait3A_342, %dma_wait3A_343] : memref<1024x200x128xf32, #tpu.memory_space<hbm>> -> memref<1x200x128xf32, #tpu.memory_space<hbm>>
    %dma_wait3A_345 = tpu.memref_squeeze %dma_wait3A_344 : memref<1x200x128xf32, #tpu.memory_space<hbm>> -> memref<200x128xf32, #tpu.memory_space<hbm>>
    %dma_wait3A_346 = arith.constant 0 : i32
    %dma_wait3A_347 = arith.constant 0 : i32
    %dma_wait3A_348 = tpu.memref_slice %arg5[%sub3A_338, %dma_wait3A_346, %dma_wait3A_347] : memref<1024x200x128xf32, #tpu.memory_space<hbm>> -> memref<1x200x128xf32, #tpu.memory_space<hbm>>
    %dma_wait3A_349 = tpu.memref_squeeze %dma_wait3A_348 : memref<1x200x128xf32, #tpu.memory_space<hbm>> -> memref<200x128xf32, #tpu.memory_space<hbm>>
    %dma_wait3A_350 = arith.constant 0 : i32
    %dma_wait3A_351 = arith.constant 0 : i32
    %dma_wait3A_352 = tpu.memref_slice %arg11[%dma_wait3A_350, %dma_wait3A_351] : memref<208x128xf32, #tpu.memory_space<vmem>> -> memref<200x128xf32, #tpu.memory_space<vmem>>
    tpu.wait_dma2 semaphore(%arg23 : memref<!tpu.dma_semaphore, #tpu.memory_space<semaphore_mem>>) src(%dma_wait3A_352 : memref<200x128xf32, #tpu.memory_space<vmem>>) dst(%dma_wait3A_349 : memref<200x128xf32, #tpu.memory_space<hbm>>)
    return
  }
}

</mosaic_0001>

<sc_bundles>
// kernel: kernel.3.cloned.1.call-start
scs
__scs_entry_jumppad:
0x0: {  	(pc) =	sbr.rel $0x88, $3  }
0x1: {  	(tag) =	ssettag $0x0;
	lr =	simm.s32 $0x1  }
0x2: {  	[smem:$0x3F9E] =	sst lr;
	_ =	strace $0xD0000000  }
0x3: {  	_ = 	snop  }
0x4: {  	_ = 	snop  }
0x5: {  	_ = 	snop  }
0x6: {  	_ = 	snop  }
0x7: {  	_ = 	snop  }
__scs_overlays_trampoline_lowered:
0x8: {  	[smem:$0x3FAD] =	sst s0  }
0x9: {  	[smem:$0x3FAE] =	sst s1  }
0xa: {  	[smem:$0x3FAF] =	sst s2  }
0xb: {  	[smem:$0x3FB0] =	sst s3  }
0xc: {  	[smem:$0x3FB1] =	sst s4  }
0xd: {  	[smem:$0x3FB2] =	sst s5  }
0xe: {  	[smem:$0x3FB3] =	sst s6  }
0xf: {  	[smem:$0x3FB4] =	sst s7  }
0x10: {  	[smem:$0x3FB5] =	sst s8  }
0x11: {  	[smem:$0x3FB6] =	sst s9;
	s0 =	simm.s32 @!p0 $0x0  }
0x12: {  	s1 =	sld [smem:$0x3F9C];
	s0 =	simm.s32 @p0 $0x1  }
0x13: {  	[smem:$0x3FB7] =	sst s0;
	s0 =	simm.s32 @!p1 $0x0  }
0x14: {  	s2 =	sld [smem:$0x3F9B];
	s0 =	simm.s32 @p1 $0x1  }
0x15: {  	[smem:$0x3FB8] =	sst s0;
	s0 =	simm.s32 @!p2 $0x0  }
0x16: {  	s3 =	sld [smem:$0x3FDB];
	s0 =	simm.s32 @p2 $0x1  }
0x17: {  	s4 =	simm.s32 $0x1BF5;
	[smem:$0x3FBA] =	sst s0  }
0x18: {  	s0 =	sld [smem:$0x3F9D];
	_ =	swait.ge [sflag:s4], $0x0  }
0x19: {  	s7 =	sld [smem:$0x3F9E]  }
0x1a: {  	s8 =	sadd.s32 $0xFFFFE003, lr  }
0x1b: {  	s9 =	sadd.s32 $0xFFFFFEF7, lr;
	s5 =	simm.s32 $0xFFFFFFFF;
	p2 =	slt.u32 s8, $0xFFFFF086  }
0x1c: {  	p1 =	slt.u32 s9, $0xF7A;
	s5 =	simm.s32 @!p2 $0x0  }
0x1d: {  	s5 =	simm.s32 @p1 $0x1;
	p0 =	seq.s32 s7, s2  }
0x1e: {  	s7 =	smul.u32 @!p0 $0xF7A, s2;
	p2 =	seq.s32 @!p0 s5, $0x0  }
0x1f: {  	s9 =	smul.u32 $0xF7A, s1;
	s8 =	simm.s32 @!p0 $0x1BF5;
	p2 =	por !p2, p0  }
0x20: {  	[sflag:s8] =	ssyncset.s32 @!p0 $0xFFFFF086;
	s6 =	sadd.s32 @!p0 s3, s7;
	s7 =	simm.s32 @!p0 $0x108  }
0x21: {  	s3 =	sadd.s32 s3, s9;
	s6 =	sadd.s32 @!p0 $0x88, s6;
	s7 =	simm.s32 @p2 $0x1082  }
0x22: {  	[simem:s7], [sflag:s8] =	dma.local @!p0 [hbm:s6], $0xF7A  }
0x23: {  	s9 =	sor.u32 $0xD0000000, s2;
	s6 =	simm.s32 $0x108;
	_ =	swait.ge @!p0 [sflag:s8], $0x0  }
0x24: {  	s3 =	sadd.s32 $0x88, s3;
	s6 =	simm.s32 @!p1 $0x1082;
	[sflag:s4] =	ssyncset.s32 $0xFFFFF086  }
0x25: {  	[simem:s6], [sflag:s4] =	dma.local [hbm:s3], $0xF7A  }
0x26: {  	[smem:$0x3F9E] =	sst s1;
	(tag) =	ssettag s2;
	_ =	strace s9  }
0x27: {  	s1 =	sld [smem:$0x3FAE]  }
0x28: {  	s2 =	sld [smem:$0x3FAF]  }
0x29: {  	s4 =	sld [smem:$0x3FB1]  }
0x2a: {  	p0 =	seq.s32 s5, $0x0;
	s5 =	sld [smem:$0x3FB2]  }
0x2b: {  	s6 =	sld [smem:$0x3FB3]  }
0x2c: {  	s7 =	sld [smem:$0x3FB4]  }
0x2d: {  	s3 =	simm.s32 $0x108;
	s8 =	sld [smem:$0x3FB5]  }
0x2e: {  	s3 =	simm.s32 @!p0 $0x1082;
	s9 =	sld [smem:$0x3FB6]  }
0x2f: {  	lr =	sadd.s32 s0, s3;
	s0 =	sld [smem:$0x3FAD]  }
0x30: {  	s3 =	sld [smem:$0x3FB0]  }
0x31: {  	[smem:$0x3FB9] =	sst s10  }
0x32: {  	s10 =	sld [smem:$0x3FB7];
	_ =	sdelay $0x3  }
0x33: {  	p0 =	seq.s32 s10, $0x1;
	s10 =	sld [smem:$0x3FB9];
	_ =	sdelay $0x3  }
0x34: {  	[smem:$0x3FB9] =	sst s10  }
0x35: {  	s10 =	sld [smem:$0x3FB8];
	_ =	sdelay $0x3  }
0x36: {  	p1 =	seq.s32 s10, $0x1;
	s10 =	sld [smem:$0x3FB9];
	_ =	sdelay $0x3  }
0x37: {  	[smem:$0x3FB9] =	sst s10  }
0x38: {  	s10 =	sld [smem:$0x3FBA]  }
0x39: {  	_ = 	snop;
	(pc) =	sbr.ind lr, $3  }
0x3a: {  	_ = 	snop  }
0x3b: {  	_ = 	snop  }
0x3c: {  	p2 =	seq.s32 s10, $0x1;
	s10 =	sld [smem:$0x3FB9]  }
0x3d: {  	_ =	shalt  }
0x3e: {  	_ =	shalt  }
0x3f: {  	_ =	shalt  }
0x40: {  	_ =	shalt  }
0x41: {  	_ =	shalt  }
0x42: {  	_ =	shalt  }
0x43: {  	_ =	shalt  }
0x44: {  	_ =	shalt  }
0x45: {  	_ =	shalt  }
0x46: {  	_ =	shalt  }
0x47: {  	_ =	shalt  }
0x48: {  	_ =	shalt  }
0x49: {  	_ =	shalt  }
0x4a: {  	_ =	shalt  }
0x4b: {  	_ =	shalt  }
0x4c: {  	_ =	shalt  }
0x4d: {  	_ =	shalt  }
0x4e: {  	_ =	shalt  }
0x4f: {  	_ =	shalt  }
0x50: {  	_ =	shalt  }
0x51: {  	_ =	shalt  }
0x52: {  	_ =	shalt  }
0x53: {  	_ =	shalt  }
0x54: {  	_ =	shalt  }
0x55: {  	_ =	shalt  }
0x56: {  	_ =	shalt  }
0x57: {  	_ =	shalt  }
0x58: {  	_ =	shalt  }
0x59: {  	_ =	shalt  }
0x5a: {  	_ =	shalt  }
0x5b: {  	_ =	shalt  }
0x5c: {  	_ =	shalt  }
0x5d: {  	_ =	shalt  }
0x5e: {  	_ =	shalt  }
0x5f: {  	_ =	shalt  }
0x60: {  	_ =	shalt  }
0x61: {  	_ =	shalt  }
0x62: {  	_ =	shalt  }
0x63: {  	_ =	shalt  }
0x64: {  	_ =	shalt  }
0x65: {  	_ =	shalt  }
0x66: {  	_ =	shalt  }
0x67: {  	_ =	shalt  }
0x68: {  	_ =	shalt  }
0x69: {  	_ =	shalt  }
0x6a: {  	_ =	shalt  }
0x6b: {  	_ =	shalt  }
0x6c: {  	_ =	shalt  }
0x6d: {  	_ =	shalt  }
0x6e: {  	_ =	shalt  }
0x6f: {  	_ =	shalt  }
0x70: {  	_ =	shalt  }
0x71: {  	_ =	shalt  }
0x72: {  	_ =	shalt  }
0x73: {  	_ =	shalt  }
0x74: {  	_ =	shalt  }
0x75: {  	_ =	shalt  }
0x76: {  	_ =	shalt  }
0x77: {  	_ =	shalt  }
0x78: {  	_ =	shalt  }
0x79: {  	_ =	shalt  }
0x7a: {  	_ =	shalt  }
0x7b: {  	_ =	shalt  }
0x7c: {  	_ =	shalt  }
0x7d: {  	_ =	shalt  }
0x7e: {  	_ =	shalt  }
0x7f: {  	_ =	shalt  }
0x80: {  	_ =	shalt  }
0x81: {  	_ =	shalt  }
0x82: {  	_ =	shalt  }
0x83: {  	_ =	shalt  }
0x84: {  	_ =	shalt  }
0x85: {  	_ =	shalt  }
0x86: {  	_ =	shalt  }
0x87: {  	_ =	shalt  }
.Lfunc_end0:
.L_simem_size_0:
called_computation_lowered:
.L_overlay_start_0:
0x88: {  	s2 =	sld [smem:$0x3FD9]  }
0x89: {  	s3 =	sld [smem:$0x3FFE];
	_ =	sdelay $0x1  }
0x8a: {  	s1 =	srdreg.scid  }
0x8b: {  	s0 =	sand.u32 $0x1, s1  }
0x8c: {  	s17 =	sshll.u32 s0, $0xA;
	s2 =	sadd.s32 s3, s2  }
0x8d: {  	s2 =	sadd.s32 s2, s17  }
0x8e: {  	[smem:$0x3FC5] =	sst s2  }
0x8f: {  	_ = 	snop  }
0x90: {  	s2 =	sld [smem:$0x3FC8]  }
0x91: {  	s18 =	sld [smem:$0x3FC7]  }
0x92: {  	s4 =	sld [smem:$0x3FD0];
	(tm) =	ssettm $0x1  }
0x93: {  	s5 =	sld [smem:$0x3FFB];
	_ =	sdelay $0x3  }
0x94: {  	_ =	strace s5  }
0x95: {  	s5 =	sld [smem:$0x3FFC];
	_ =	sdelay $0x3  }
0x96: {  	_ =	strace s5  }
0x97: {  	s5 =	sld [smem:$0x3FFD];
	_ =	sdelay $0x3  }
0x98: {  	_ =	strace s5  }
0x99: {  	_ =	strace $0x8FFFFFFF  }
0x9a: {  	s19 =	sld [smem:$0x3FDB];
	_ =	sdelay $0x1  }
0x9b: {  	s6 =	simm.s32 $_scs_section_size  }
0x9c: {  	s7 =	simm.s32 $_size__tile_overlayer_lowered;
	s8 =	simm.s32 $_tile_overlayer_lowered  }
0x9d: {  	s22 =	simm.s32 $0x1BFF;
	s21 =	sshll.u32 s8, $0x1;
	s5 =	sadd.s32 s6, s19  }
0x9e: {  	s9 =	simm.s32 $0x0;
	s20 =	sshll.u32 s7, $0x1;
	s7 =	sadd.s32 s21, s5  }
0x9f: {  	[timem:s9], [sflag:s22] =	dma.local [hbm:s7], s20  }
0xa0: {  	_ =	swait.ge [sflag:s22], s20  }
0xa1: {  	s6 =	ssub.s32 $0x0, s20;
	[sflag:s22] =	ssyncset.done $0x0  }
0xa2: {  	[sflag:s22] =	ssyncadd.s32 s6;
	_ =	sdelay $0x1  }
0xa3: {  	s23 =	simm.s32 $0x1B8B  }
0xa4: {  	_ =	swait.ge [sflag:s23], $0x1  }
0xa5: {  	[sflag:s23] =	ssyncset.done $0x0  }
0xa6: {  	s25 =	simm.s32 $0x1B8E;
	s24 =	sld [smem:$0x3FFE];
	[sflag:s23] =	ssyncadd.s32 $0xFFFFFFFF  }
0xa7: {  	s26 =	simm.s32 $execute0_lowered;
	[smem:$0x3FD2] =	sst s25  }
0xa8: {  	s7 =	sshll.u32 s26, $0x1;
	_ =	strace $0x80000046;
	[dreg:$0x1] =	wrdreg $0xFFFFFFFF  }
0xa9: {  	s28 =	simm.s32 $_size_execute0_lowered;
	s5 =	sadd.s32 s5, s7;
	[dreg:$0x0] =	wrdreg $0x0  }
0xaa: {  	s7 =	sshll.u32 s28, $0x1;
	[dreg:$0x2] =	wrdreg s5  }
0xab: {  	[dreg:$0x3] =	wrdreg s7  }
0xac: {  	[dreg:$0x4] =	wrdreg $0xC0  }
0xad: {  	_ =	task [dreg:s9], $0x5FFFF  }
0xae: {  	[dreg:$0x1] =	wrdreg $0xFFFFFFFF  }
0xaf: {  	[dreg:$0x0] =	wrdreg $0x60  }
0xb0: {  	[dreg:$0x2] =	wrdreg s24  }
0xb1: {  	[dreg:$0x3] =	wrdreg s2  }
0xb2: {  	[dreg:$0x4] =	wrdreg s18  }
0xb3: {  	[dreg:$0x5] =	wrdreg s4  }
0xb4: {  	[dreg:$0x6] =	wrdreg $0x1A4000  }
0xb5: {  	[dreg:$0x7] =	wrdreg $0x1C3400  }
0xb6: {  	[dreg:$0x8] =	wrdreg $0x9  }
0xb7: {  	_ =	task.clear_ibuf [dreg:s9], $0x9FFFF;
	_ =	strace $0x90000046  }
0xb8: {  	s29 =	simm.s32 $0x9;
	_ =	strace $0x80000048  }
0xb9: {  	_ =	swait.ge [sflag:s29], $0x1  }
0xba: {  	[sflag:s29] =	ssyncadd.s32 $0xFFFFFFFF  }
0xbb: {  	_ =	strace $0x90000048  }
0xbc: {  	_ =	sfence  }
0xbd: {  	s30 =	sld [smem:$0x0];
	_ =	sdelay $0x2  }
0xbe: {  	s31 =	sshll.u32 s1, $0xD;
	s1 =	sshrl.u32 s1, $0x2  }
0xbf: {  	s3 =	sand.u32 $0x4000, s31;
	s1 =	sadd.s32 s1, s30  }
0xc0: {  	s0 =	sor.u32 s3, s0;
	s1 =	sshll.u32 s1, $0x11  }
0xc1: {  	s0 =	sor.u32 s1, s0  }
0xc2: {  	s0 =	sadd.s32 $0x8F2B, s0  }
0xc3: {  	[sflag:s0] =	ssyncadd.remote.s32 $0x1  }
0xc4: {  	_ =	sfence.sel $0xFFFF  }
0xc5: {  	[dreg:$0x0] =	wrdreg $0xFFFFFFFF;
	(pc) =	sbr.abs _section_cstart, $3  }
0xc6: {  	[dreg:$0x1] =	wrdreg $0xFFFFFFFF  }
0xc7: {  	_ =	task.clear_ibuf [dreg:s9], $0x2FFFF;
	_ =	strace $0x9FFFFFFF  }
0xc8: {  	(tm) =	ssettm $0x7FFFFFFF  }
0xc9: {  	_ =	shalt  }
tec
execute0_lowered:
.L_overlay_start_1:
0x0: {  	(tag) =	ssettag $0x1  }
0x1: {  	s0 =	rddreg [dreg:$0x0]  }
0x2: {  	s3 =	rddreg [dreg:$0x3]  }
0x3: {  	s5 =	rddreg [dreg:$0x4]  }
0x4: {  	s6 =	rddreg [dreg:$0x5]  }
0x5: {  	s1 =	srdreg.scid;
	s11 =	stileid.u32;
	s7 =	simm.s32 $0x0  }
0x6: {  	s15 =	simm.s32 $0x1;
	s16 =	simm.s32 $0x100;
	s17 =	simm.s32 $0x80  }
0x7: {  	s18 =	simm.s32 $0x400;
	s21 =	simm.s32 $0x50;
	s23 =	simm.s32 $0x280  }
0x8: {  	s28 =	simm.s32 $0x300;
	s29 =	simm.s32 $0x13C00;
	s30 =	simm.s32 $0x180  }
0x9: {  	s31 =	simm.s32 $0xAC00;
	s12 =	simm.s32 $0x4;
	s13 =	simm.s32 $0x6  }
0xa: {  	s19 =	simm.s32 $0x0;
	s1 =	sand.u32 $0x1, s1;
	s2 =	sshll.u32 s11, $0x1  }
0xb: {  	[smem:$0x7FF] =	sst s7;
	s8 =	sadd.s32 $0x400, s0;
	p0 =	seq.s32 s11, $0x1  }
0xc: {  	s4 =	ssub.s32 $0x2, s1;
	s1 =	sor.u32 s1, s2;
	_ =	strace $0x80000047  }
0xd: {  	p1 =	sne.s32 @!p0 s11, $0x0;
	s2 =	simm.s32 $0x5;
	s10 =	smul.u32 $0x320, s1  }
0xe: {  	s11 =	simm.s32 $0x7;
	s24 =	sshrl.u32 s4, $0x1;
	s9 =	sshll.u32 s1, $0x5  }
0xf: {  	p1 =	por p1, p0;
	s25 =	ssub.s32 s4, s24;
	s26 =	sadd.s32 s8, s10  }
0x10: {  	s24 =	simm.s32 $0x11400;
	s0 =	smax.u32 s25, $0x1;
	[dreg:$0x7] =	wrdreg s26  }
0x11: {  	s4 =	simm.s32 $0x17C00;
	s1 =	sadd.s32 $0x19, s26;
	[dreg:$0x9] =	wrdreg s0  }
0x12: {  	s25 =	simm.s32 $0x2;
	s0 =	sshrl.u32 @p0 s6, $0x3;
	[dreg:$0x8] =	wrdreg s1  }
0x13: {  	s26 =	simm.s32 $0x6C00;
	[dreg:$0xa] =	wrdreg s0;
	s0 =	sshrl.u32 @!p1 s5, $0x3  }
0x14: {  	v0 =	vimm.s32 $0x0;
	vm0 =	vmmov $0xff;
	s1 =	simm.s32 $0x3;
	[dreg:$0xb] =	wrdreg s0;
	s0 =	simm.s32 $0x380  }
.LBB2_1:
0x15: {  	[dreg:$0xc] =	wrdreg s19  }
0x16: {  	s14 =	rddreg [dreg:$0x2]  }
0x17: {  	s10 =	simm.s32 @p0 $0x1C49;
	s19 =	rddreg [dreg:$0xa]  }
0x18: {  	[spmem:s19], [sflag:s10] =	dma.local @p0 [hbm:s14], $0x1000  }
0x19: {  	s10 =	simm.s32 @p0 $0x9  }
0x1a: {  	_ =	swait.ge @p0 [sflag:s10], $0x1000  }
0x1b: {  	[sflag:s10] =	ssyncset.done @p0 $0x0  }
0x1c: {  	s19 =	rddreg [dreg:$0xb];
	[sflag:s10] =	ssyncadd.s32 @p0 $0xFFFFF000  }
0x1d: {  	s10 =	simm.s32 @!p1 $0x1C09;
	s14 =	rddreg [dreg:$0x1]  }
0x1e: {  	[spmem:s19], [sflag:s10] =	dma.local @!p1 [hbm:s14], $0x3E80  }
0x1f: {  	s10 =	simm.s32 @!p1 $0x9  }
0x20: {  	_ =	swait.ge @!p1 [sflag:s10], $0x3E80  }
0x21: {  	[sflag:s10] =	ssyncset.done @!p1 $0x0  }
0x22: {  	[sflag:s10] =	ssyncadd.s32 @!p1 $0xFFFFC180  }
0x23: {  	[bflag:$0x0] =	sbarrier.arrive $0xFFFF  }
0x24: {  	s22 =	rddreg [dreg:$0x7]  }
0x25: {  	[tilespmem:s7], [sflag:$0x1] =	stream.linear.gather [hbm4b:s22+s7], $0xC8, $0x38;
	[tilespmem:$0x1CB40] =	vst v63  }
0x26: {  	_ =	swait.ge [sflag:s15], $0xC8  }
0x27: {  	[sflag:s15] =	ssyncset.done $0x0  }
0x28: {  	s14 =	rddreg [dreg:$0x8];
	[sflag:s15] =	ssyncadd.s32 $0xFFFFFF38  }
0x29: {  	[tilespmem:s16], [sflag:$0x2] =	stream.linear.gather [hbm4b:s14+s7], $0xC8, $0x38;
	[tilespmem:$0x1CB40] =	vst v63  }
0x2a: {  	v1 =	vld [tilespmem:$0x0];
	_ =	sdelay $0x1  }
0x2b: {  	v2 =	vld [tilespmem:$0x10]  }
0x2c: {  	v3 =	vld [tilespmem:$0x20]  }
0x2d: {  	v35 =	vld [tilespmem:$0x60]  }
0x2e: {  	vm3 =	vne.s32 v1, $0x0;
	v1 =	vld [tilespmem:$0x30]  }
0x2f: {  	v9 =	vld [tilespmem:$0x70]  }
0x30: {  	v41 =	vld [tilespmem:$0xB0];
	vm4 =	vne.s32 v2, $0x0;
	v4 =	vsel vm3, $0x1, v0  }
0x31: {  	v46 =	vld [tilespmem:$0xC0];
	vm1 =	vne.s32 v3, $0x0;
	v2 =	vsel vm4, $0x1, v0;
	(xrf0) =	vadd.scan.msk.s32 $0xffff, v4  }
0x32: {  	v3 =	vld [tilespmem:$0x50];
	(xrf0) =	vadd.scan.msk.s32 $0xffff, v2;
	v2 =	vsel vm1, $0x1, v0  }
0x33: {  	(xrf0) =	vadd.scan.msk.s32 $0xffff, v2;
	v2 =	vld [tilespmem:$0x40];
	vm2 =	vne.s32 v1, $0x0  }
0x34: {  	v1 =	vsel vm2, $0x1, v0;
	_ =	sdelay $0x1  }
0x35: {  	(xrf0) =	vadd.scan.msk.s32 $0xffff, v1  }
0x36: {  	vm6 =	vne.s32 v35, $0x0;
	vm13 =	vne.s32 v9, $0x0;
	vm14 =	vne.s32 v41, $0x0;
	v1, _, _ =	vpop (xrf0)  }
0x37: {  	v53 =	vnsel vm0, $0x0, v46;
	vm5 =	vne.s32 v3, $0x0;
	v3 =	vld [tilespmem:$0x80];
	vm7 =	vne.s32 v2, $0x0;
	v6, _, _ =	vpop (xrf0)  }
0x38: {  	v11 =	vld [tilespmem:$0x90];
	v40 =	vsel vm6, $0x1, v0;
	v8 =	vsel vm7, $0x1, v0;
	v2 =	vadd.s32 v1, v6;
	v7, _, _ =	vpop (xrf0)  }
0x39: {  	v10 =	vsel vm5, $0x1, v0;
	(xrf0) =	vadd.scan.msk.s32 $0xffff, v8;
	v36 =	vadd.s32 v2, v7;
	v2 =	vbroadcast v2, $0xF  }
0x3a: {  	v5 =	vbroadcast v1, $0xF;
	v1 =	vnsel vm3, $0x0, v1;
	v37 =	vbroadcast v36, $0xF  }
0x3b: {  	v39 =	vld [tilespmem:$0xA0];
	v43 =	vsel vm13, $0x1, v0;
	(xrf0) =	vadd.scan.msk.s32 $0xffff, v10;
	[tilespmem:$0x200] =	vst v1;
	v38, _, _ =	vpop (xrf0);
	v1 =	vadd.s32 v2, v7  }
0x3c: {  	(xrf0) =	vadd.scan.msk.s32 $0xffff, v40;
	v2 =	vadd.s32 v37, v38;
	v1 =	vnsel vm1, $0x0, v1;
	vm1 =	vne.s32 v3, $0x0  }
0x3d: {  	(xrf0) =	vadd.scan.msk.s32 $0xffff, v43;
	v2 =	vnsel vm2, $0x0, v2;
	v45 =	vsel vm1, $0x1, v0;
	vm2 =	vne.s32 v11, $0x0  }
0x3e: {  	v5 =	vadd.s32 v5, v6;
	v42 =	vadd.s32 v36, v38;
	(xrf0) =	vadd.scan.msk.s32 $0xffff, v45;
	v47 =	vsel vm2, $0x1, v0  }
0x3f: {  	vm15 =	vne.s32 v53, $0x0;
	v5 =	vnsel vm4, $0x0, v5;
	v3 =	vbroadcast v42, $0xF;
	v44, _, _ =	vpop (xrf0);
	(xrf0) =	vadd.scan.msk.s32 $0xffff, v47  }
0x40: {  	v57 =	vsel vm15, $0x1, v0;
	vm3 =	vne.s32 v39, $0x0;
	[tilespmem:$0x210] =	vst v5;
	v5 =	vadd.s32 v42, v44  }
0x41: {  	v50 =	vsel vm3, $0x1, v0;
	v3 =	vadd.s32 v3, v44;
	v49, _, _ =	vpop (xrf0);
	v48 =	vbroadcast v5, $0xF  }
0x42: {  	v7 =	vsel vm14, $0x1, v0;
	v3 =	vnsel vm7, $0x0, v3;
	v5 =	vadd.s32 v5, v49;
	(xrf0) =	vadd.scan.msk.s32 $0xffff, v50;
	v52, _, _ =	vpop (xrf0)  }
0x43: {  	[tilespmem:$0x220] =	vst v1;
	v51 =	vbroadcast v5, $0xF;
	v5 =	vadd.s32 v5, v52;
	v54, _, _ =	vpop (xrf0);
	v1 =	vadd.s32 v48, v49  }
0x44: {  	(xrf0) =	vadd.scan.msk.s32 $0xffff, v7;
	[tilespmem:$0x240] =	vst v3;
	v3 =	vadd.s32 v5, v54;
	v1 =	vnsel vm5, $0x0, v1;
	v56, _, _ =	vpop (xrf0)  }
0x45: {  	[tilespmem:$0x230] =	vst v2;
	v2 =	vadd.s32 v51, v52;
	v58 =	vbroadcast v3, $0xF;
	v3 =	vadd.s32 v3, v56;
	v59, _, _ =	vpop (xrf0)  }
0x46: {  	v2 =	vnsel vm6, $0x0, v2;
	[tilespmem:$0x250] =	vst v1;
	v1 =	vbroadcast v3, $0xF;
	v3 =	vadd.s32 v3, v59  }
0x47: {  	(xrf0) =	vadd.scan.msk.s32 $0xffff, v57;
	[tilespmem:$0x260] =	vst v2;
	v2 =	vadd.s32 v58, v56;
	v61 =	vbroadcast v3, $0xF  }
0x48: {  	v60, _, _ =	vpop (xrf0);
	v2 =	vnsel vm1, $0x0, v2  }
0x49: {  	v3 =	vadd.s32 v3, v60;
	[tilespmem:$0x280] =	vst v2;
	v2 =	vadd.s32 v61, v60  }
0x4a: {  	v62, _, _ =	vpop (xrf0);
	v1 =	vadd.s32 v1, v59;
	v63 =	vbroadcast v3, $0xF;
	v2 =	vnsel vm3, $0x0, v2  }
0x4b: {  	[tilespmem:$0xC0] =	vst v53;
	v55 =	vbroadcast v5, $0xF;
	v3 =	vadd.s32 v3, v62;
	v1 =	vnsel vm2, $0x0, v1  }
0x4c: {  	v3 =	vbroadcast v3, $0xF;
	[tilespmem:$0x290] =	vst v1;
	v1 =	vadd.s32 v63, v62  }
0x4d: {  	v4 =	vadd.s32 v55, v54;
	v1 =	vnsel vm14, $0x0, v1;
	[tilespmem:$0x2A0] =	vst v2;
	v2, _, _ =	vpop (xrf0)  }
0x4e: {  	v4 =	vnsel vm13, $0x0, v4;
	[tilespmem:$0x2B0] =	vst v1;
	v1 =	vadd.s32 v3, v2  }
0x4f: {  	[tilespmem:$0x270] =	vst v4;
	v1 =	vnsel vm15, $0x0, v1  }
0x50: {  	[tilespmem:$0x2C0] =	vst v1  }
0x51: {  	[tilespmem:s18], [sflag:$0x3] =	stream.indirect.gather [spmem:s5], $0x80, s7, s17, $0xb8;
	[tilespmem:$0x1CB40] =	vst v63  }
0x52: {  	s20 =	simm.s32 $0xD400;
	s19 =	simm.s32 $0x200  }
0x53: {  	[tilespmem:s20], [sflag:$0x5] =	stream.indirect.gather [spmem:s6], $0x80, s19, s17, $0xb8;
	[tilespmem:$0x1CB40] =	vst v63  }
0x54: {  	s22 =	simm.s32 $0x4400  }
0x55: {  	[tilespmem:s22], [sflag:$0x3] =	stream.indirect.gather [spmem:s5], $0x80, s17, s21, $0xb8;
	[tilespmem:$0x1CB40] =	vst v63  }
0x56: {  	s14 =	simm.s32 $0x0  }
0x57: {  	[tilespmem:s24], [sflag:$0x5] =	stream.indirect.gather [spmem:s6], $0x80, s23, s21, $0xb8;
	[tilespmem:$0x1CB40] =	vst v63  }
.LBB2_2:
0x58: {  	_ =	swait.ge [sflag:s25], $0xC8  }
0x59: {  	p2 =	seq.s32 s14, $0x0;
	[sflag:s25] =	ssyncset.done $0x0  }
0x5a: {  	s10 =	simm.s32 @!p2 $0x8;
	[sflag:s25] =	ssyncadd.s32 $0xFFFFFF38  }
0x5b: {  	_ =	swait.ge @!p2 [sflag:s10], $0x6400  }
0x5c: {  	[sflag:s10] =	ssyncset.done @!p2 $0x0  }
0x5d: {  	[sflag:s10] =	ssyncadd.s32 @!p2 $0xFFFF9C00  }
0x5e: {  	v1 =	vld [tilespmem:$0x100];
	_ =	sdelay $0x1  }
0x5f: {  	v2 =	vld [tilespmem:$0x110]  }
0x60: {  	v3 =	vld [tilespmem:$0x120]  }
0x61: {  	v35 =	vld [tilespmem:$0x160]  }
0x62: {  	vm3 =	vne.s32 v1, $0x0;
	v1 =	vld [tilespmem:$0x130]  }
0x63: {  	v9 =	vld [tilespmem:$0x170]  }
0x64: {  	v41 =	vld [tilespmem:$0x1B0];
	vm4 =	vne.s32 v2, $0x0;
	v4 =	vsel vm3, $0x1, v0  }
0x65: {  	v46 =	vld [tilespmem:$0x1C0];
	vm1 =	vne.s32 v3, $0x0;
	v2 =	vsel vm4, $0x1, v0;
	(xrf0) =	vadd.scan.msk.s32 $0xffff, v4  }
0x66: {  	v3 =	vld [tilespmem:$0x150];
	(xrf0) =	vadd.scan.msk.s32 $0xffff, v2;
	v2 =	vsel vm1, $0x1, v0  }
0x67: {  	(xrf0) =	vadd.scan.msk.s32 $0xffff, v2;
	v2 =	vld [tilespmem:$0x140];
	vm2 =	vne.s32 v1, $0x0  }
0x68: {  	v1 =	vsel vm2, $0x1, v0;
	_ =	sdelay $0x1  }
0x69: {  	(xrf0) =	vadd.scan.msk.s32 $0xffff, v1  }
0x6a: {  	vm6 =	vne.s32 v35, $0x0;
	vm13 =	vne.s32 v9, $0x0;
	vm14 =	vne.s32 v41, $0x0;
	v1, _, _ =	vpop (xrf0)  }
0x6b: {  	v53 =	vnsel vm0, $0x0, v46;
	vm5 =	vne.s32 v3, $0x0;
	v3 =	vld [tilespmem:$0x180];
	vm7 =	vne.s32 v2, $0x0;
	v6, _, _ =	vpop (xrf0)  }
0x6c: {  	v11 =	vld [tilespmem:$0x190];
	v40 =	vsel vm6, $0x1, v0;
	v8 =	vsel vm7, $0x1, v0;
	v2 =	vadd.s32 v1, v6;
	v7, _, _ =	vpop (xrf0)  }
0x6d: {  	v10 =	vsel vm5, $0x1, v0;
	(xrf0) =	vadd.scan.msk.s32 $0xffff, v8;
	v36 =	vadd.s32 v2, v7;
	v2 =	vbroadcast v2, $0xF  }
0x6e: {  	v5 =	vbroadcast v1, $0xF;
	v1 =	vnsel vm3, $0x0, v1;
	v37 =	vbroadcast v36, $0xF  }
0x6f: {  	v39 =	vld [tilespmem:$0x1A0];
	v43 =	vsel vm13, $0x1, v0;
	(xrf0) =	vadd.scan.msk.s32 $0xffff, v10;
	[tilespmem:$0x300] =	vst v1;
	v38, _, _ =	vpop (xrf0);
	v1 =	vadd.s32 v2, v7  }
0x70: {  	(xrf0) =	vadd.scan.msk.s32 $0xffff, v40;
	v2 =	vadd.s32 v37, v38;
	v1 =	vnsel vm1, $0x0, v1;
	vm1 =	vne.s32 v3, $0x0  }
0x71: {  	(xrf0) =	vadd.scan.msk.s32 $0xffff, v43;
	v2 =	vnsel vm2, $0x0, v2;
	v45 =	vsel vm1, $0x1, v0;
	vm2 =	vne.s32 v11, $0x0  }
0x72: {  	v5 =	vadd.s32 v5, v6;
	v42 =	vadd.s32 v36, v38;
	(xrf0) =	vadd.scan.msk.s32 $0xffff, v45;
	v47 =	vsel vm2, $0x1, v0  }
0x73: {  	vm15 =	vne.s32 v53, $0x0;
	v5 =	vnsel vm4, $0x0, v5;
	v3 =	vbroadcast v42, $0xF;
	v44, _, _ =	vpop (xrf0);
	(xrf0) =	vadd.scan.msk.s32 $0xffff, v47  }
0x74: {  	v57 =	vsel vm15, $0x1, v0;
	vm3 =	vne.s32 v39, $0x0;
	[tilespmem:$0x310] =	vst v5;
	v5 =	vadd.s32 v42, v44  }
0x75: {  	v50 =	vsel vm3, $0x1, v0;
	v3 =	vadd.s32 v3, v44;
	v49, _, _ =	vpop (xrf0);
	v48 =	vbroadcast v5, $0xF  }
0x76: {  	v7 =	vsel vm14, $0x1, v0;
	v3 =	vnsel vm7, $0x0, v3;
	v5 =	vadd.s32 v5, v49;
	(xrf0) =	vadd.scan.msk.s32 $0xffff, v50;
	v52, _, _ =	vpop (xrf0)  }
0x77: {  	[tilespmem:$0x320] =	vst v1;
	v51 =	vbroadcast v5, $0xF;
	v5 =	vadd.s32 v5, v52;
	v54, _, _ =	vpop (xrf0);
	v1 =	vadd.s32 v48, v49  }
0x78: {  	(xrf0) =	vadd.scan.msk.s32 $0xffff, v7;
	[tilespmem:$0x340] =	vst v3;
	v3 =	vadd.s32 v5, v54;
	v1 =	vnsel vm5, $0x0, v1;
	v56, _, _ =	vpop (xrf0)  }
0x79: {  	[tilespmem:$0x330] =	vst v2;
	v2 =	vadd.s32 v51, v52;
	v58 =	vbroadcast v3, $0xF;
	v3 =	vadd.s32 v3, v56;
	v59, _, _ =	vpop (xrf0)  }
0x7a: {  	v2 =	vnsel vm6, $0x0, v2;
	[tilespmem:$0x350] =	vst v1;
	v1 =	vbroadcast v3, $0xF;
	v3 =	vadd.s32 v3, v59  }
0x7b: {  	(xrf0) =	vadd.scan.msk.s32 $0xffff, v57;
	[tilespmem:$0x360] =	vst v2;
	v2 =	vadd.s32 v58, v56;
	v61 =	vbroadcast v3, $0xF  }
0x7c: {  	v60, _, _ =	vpop (xrf0);
	v2 =	vnsel vm1, $0x0, v2  }
0x7d: {  	v3 =	vadd.s32 v3, v60;
	[tilespmem:$0x380] =	vst v2;
	v2 =	vadd.s32 v61, v60  }
0x7e: {  	v62, _, _ =	vpop (xrf0);
	v1 =	vadd.s32 v1, v59;
	v63 =	vbroadcast v3, $0xF;
	v2 =	vnsel vm3, $0x0, v2  }
0x7f: {  	[tilespmem:$0x1C0] =	vst v53;
	v55 =	vbroadcast v5, $0xF;
	v3 =	vadd.s32 v3, v62;
	v1 =	vnsel vm2, $0x0, v1  }
0x80: {  	v3 =	vbroadcast v3, $0xF;
	[tilespmem:$0x390] =	vst v1;
	v1 =	vadd.s32 v63, v62  }
0x81: {  	v4 =	vadd.s32 v55, v54;
	v1 =	vnsel vm14, $0x0, v1;
	[tilespmem:$0x3A0] =	vst v2;
	v2, _, _ =	vpop (xrf0)  }
0x82: {  	v4 =	vnsel vm13, $0x0, v4;
	[tilespmem:$0x3B0] =	vst v1;
	v1 =	vadd.s32 v3, v2  }
0x83: {  	[tilespmem:$0x370] =	vst v4;
	v1 =	vnsel vm15, $0x0, v1  }
0x84: {  	[tilespmem:$0x3C0] =	vst v1  }
0x85: {  	[tilespmem:s26], [sflag:$0x4] =	stream.indirect.gather [spmem:s5], $0x80, s16, s17, $0xb8;
	[tilespmem:$0x1CB40] =	vst v63  }
0x86: {  	_ = 	snop  }
0x87: {  	[tilespmem:s29], [sflag:$0x6] =	stream.indirect.gather [spmem:s6], $0x80, s28, s17, $0xb8;
	[tilespmem:$0x1CB40] =	vst v63  }
0x88: {  	_ = 	snop  }
0x89: {  	[tilespmem:s31], [sflag:$0x4] =	stream.indirect.gather [spmem:s5], $0x80, s30, s21, $0xb8;
	[tilespmem:$0x1CB40] =	vst v63  }
0x8a: {  	s10 =	sshll.u32 s14, $0x1  }
0x8b: {  	[tilespmem:s4], [sflag:$0x6] =	stream.indirect.gather [spmem:s6], $0x80, s0, s21, $0xb8;
	[tilespmem:$0x1CB40] =	vst v63  }
0x8c: {  	p2 =	seq.s32 s14, $0xF;
	s19 =	sor.u32 s9, s10;
	_ =	swait.ge [sflag:s1], $0x6800  }
0x8d: {  	s20 =	smul.u32 @!p2 $0xC8, s19;
	[sflag:s1] =	ssyncset.done $0x0  }
0x8e: {  	[sflag:s1] =	ssyncadd.s32 $0xFFFF9800  }
0x8f: {  	s20 =	sshrl.u32 @!p2 s20, $0x3;
	_ =	swait.ge [sflag:s2], $0x6800  }
0x90: {  	s20 =	sadd.s32 @!p2 s8, s20;
	[sflag:s2] =	ssyncset.done $0x0  }
0x91: {  	s22 =	simm.s32 @!p2 $0x0;
	s20 =	sadd.s32 @!p2 $0x32, s20;
	[sflag:s2] =	ssyncadd.s32 $0xFFFF9800  }
0x92: {  	[tilespmem:s22], [sflag:$0x1] =	stream.linear.gather @!p2 [hbm4b:s20+s22], $0xC8, $0x38;
	[tilespmem:$0x1CB40] =	vst v63  }
0x93: {  	s20 =	simm.s32 $0x0;
	s22 =	simm.s32 $0x200  }
.LBB2_3:
0x94: {  	p3 =	sne.s32 s22, $0x18E00;
	v1 =	vld [tilespmem:s20+$0xD470]  }
0x95: {  	v2 =	vld [tilespmem:s20+$0xD400]  }
0x96: {  	v3 =	vld [tilespmem:s20+$0xD410]  }
0x97: {  	v4 =	vld [tilespmem:s20+$0xD420]  }
0x98: {  	v5 =	vld [tilespmem:s20+$0xD430]  }
0x99: {  	[tilespmem:s20+$0x470] =	vst.add.f32.msk $0xffff, v1  }
0x9a: {  	v1 =	vld [tilespmem:s20+$0xD440]  }
0x9b: {  	v6 =	vld [tilespmem:s20+$0xD450]  }
0x9c: {  	v7 =	vld [tilespmem:s20+$0xD460]  }
0x9d: {  	[tilespmem:s20+$0x400] =	vst.add.f32.msk $0xffff, v2  }
0x9e: {  	[tilespmem:s20+$0x410] =	vst.add.f32.msk $0xffff, v3  }
.Ltmp0:
0x9f: {  	[tilespmem:s20+$0x420] =	vst.add.f32.msk $0xffff, v4;
	(pc) =	sbr.rel @p3 .LBB2_3-.Ltmp0, $4  }
0xa0: {  	[tilespmem:s20+$0x430] =	vst.add.f32.msk $0xffff, v5  }
0xa1: {  	[tilespmem:s20+$0x440] =	vst.add.f32.msk $0xffff, v1  }
0xa2: {  	[tilespmem:s20+$0x450] =	vst.add.f32.msk $0xffff, v6  }
0xa3: {  	[tilespmem:s20+$0x460] =	vst.add.f32.msk $0xffff, v7;
	s20 =	sshra.s32 s22, $0x2;
	s22 =	sadd.s32 $0x200, s22  }
0xa4: {  	v1 =	vld [tilespmem:s20+$0xD470]  }
0xa5: {  	v2 =	vld [tilespmem:s20+$0xD400]  }
0xa6: {  	v3 =	vld [tilespmem:s20+$0xD410]  }
0xa7: {  	v4 =	vld [tilespmem:s20+$0xD420]  }
0xa8: {  	v5 =	vld [tilespmem:s20+$0xD430]  }
0xa9: {  	v6 =	vld [tilespmem:s20+$0xD450]  }
0xaa: {  	v7 =	vld [tilespmem:s20+$0xD460]  }
0xab: {  	[tilespmem:s20+$0x470] =	vst.add.f32.msk $0xffff, v1  }
0xac: {  	v1 =	vld [tilespmem:s20+$0xD440]  }
0xad: {  	[tilespmem:s20+$0x400] =	vst.add.f32.msk $0xffff, v2  }
0xae: {  	s10 =	sor.u32 $0x1, s10;
	[tilespmem:s20+$0x410] =	vst.add.f32.msk $0xffff, v3  }
0xaf: {  	p3 =	sgt.u32 s10, $0x1E;
	[tilespmem:s20+$0x420] =	vst.add.f32.msk $0xffff, v4  }
.Ltmp1:
0xb0: {  	[tilespmem:s20+$0x430] =	vst.add.f32.msk $0xffff, v5;
	(pc) =	sbr.rel @p3 .LBB2_6-.Ltmp1, $4  }
0xb1: {  	s19 =	smul.u32 $0xC80, s19;
	[tilespmem:s20+$0x450] =	vst.add.f32.msk $0xffff, v6  }
0xb2: {  	[tilespmem:s20+$0x460] =	vst.add.f32.msk $0xffff, v7  }
0xb3: {  	s19 =	sadd.s32 s3, s19;
	[tilespmem:s20+$0x440] =	vst.add.f32.msk $0xffff, v1  }
0xb4: {  	[hbm4b:s19+s7] =	stream.linear.scatter [tilespmem:s18], [sflag:$0x7], $0x6400, $0x38;
	[tilespmem:$0x1CB40] =	vst v63  }
0xb5: {  	_ =	swait.ge [sflag:s15], $0xC8  }
0xb6: {  	[sflag:s15] =	ssyncset.done $0x0  }
0xb7: {  	[sflag:s15] =	ssyncadd.s32 $0xFFFFFF38  }
0xb8: {  	_ =	swait.ge [sflag:s11], $0x6400  }
0xb9: {  	[sflag:s11] =	ssyncset.done $0x0  }
0xba: {  	[sflag:s11] =	ssyncadd.s32 $0xFFFF9C00  }
0xbb: {  	v1 =	vld [tilespmem:$0x0];
	_ =	sdelay $0x1  }
0xbc: {  	v2 =	vld [tilespmem:$0x10]  }
0xbd: {  	v3 =	vld [tilespmem:$0x20]  }
0xbe: {  	v35 =	vld [tilespmem:$0x60]  }
0xbf: {  	vm3 =	vne.s32 v1, $0x0;
	v1 =	vld [tilespmem:$0x30]  }
0xc0: {  	v9 =	vld [tilespmem:$0x70]  }
0xc1: {  	v41 =	vld [tilespmem:$0xB0];
	vm4 =	vne.s32 v2, $0x0;
	v4 =	vsel vm3, $0x1, v0  }
0xc2: {  	v46 =	vld [tilespmem:$0xC0];
	vm1 =	vne.s32 v3, $0x0;
	v2 =	vsel vm4, $0x1, v0;
	(xrf0) =	vadd.scan.msk.s32 $0xffff, v4  }
0xc3: {  	v3 =	vld [tilespmem:$0x50];
	(xrf0) =	vadd.scan.msk.s32 $0xffff, v2;
	v2 =	vsel vm1, $0x1, v0  }
0xc4: {  	(xrf0) =	vadd.scan.msk.s32 $0xffff, v2;
	v2 =	vld [tilespmem:$0x40];
	vm2 =	vne.s32 v1, $0x0  }
0xc5: {  	v1 =	vsel vm2, $0x1, v0;
	_ =	sdelay $0x1  }
0xc6: {  	(xrf0) =	vadd.scan.msk.s32 $0xffff, v1  }
0xc7: {  	vm6 =	vne.s32 v35, $0x0;
	vm13 =	vne.s32 v9, $0x0;
	vm14 =	vne.s32 v41, $0x0;
	v1, _, _ =	vpop (xrf0)  }
0xc8: {  	v53 =	vnsel vm0, $0x0, v46;
	vm5 =	vne.s32 v3, $0x0;
	v3 =	vld [tilespmem:$0x80];
	vm7 =	vne.s32 v2, $0x0;
	v6, _, _ =	vpop (xrf0)  }
0xc9: {  	v11 =	vld [tilespmem:$0x90];
	v40 =	vsel vm6, $0x1, v0;
	v8 =	vsel vm7, $0x1, v0;
	v2 =	vadd.s32 v1, v6;
	v7, _, _ =	vpop (xrf0)  }
0xca: {  	v10 =	vsel vm5, $0x1, v0;
	(xrf0) =	vadd.scan.msk.s32 $0xffff, v8;
	v36 =	vadd.s32 v2, v7;
	v2 =	vbroadcast v2, $0xF  }
0xcb: {  	v5 =	vbroadcast v1, $0xF;
	v1 =	vnsel vm3, $0x0, v1;
	v37 =	vbroadcast v36, $0xF  }
0xcc: {  	v39 =	vld [tilespmem:$0xA0];
	v43 =	vsel vm13, $0x1, v0;
	(xrf0) =	vadd.scan.msk.s32 $0xffff, v10;
	[tilespmem:$0x200] =	vst v1;
	v38, _, _ =	vpop (xrf0);
	v1 =	vadd.s32 v2, v7  }
0xcd: {  	(xrf0) =	vadd.scan.msk.s32 $0xffff, v40;
	v2 =	vadd.s32 v37, v38;
	v1 =	vnsel vm1, $0x0, v1;
	vm1 =	vne.s32 v3, $0x0  }
0xce: {  	(xrf0) =	vadd.scan.msk.s32 $0xffff, v43;
	v2 =	vnsel vm2, $0x0, v2;
	v45 =	vsel vm1, $0x1, v0;
	vm2 =	vne.s32 v11, $0x0  }
0xcf: {  	v5 =	vadd.s32 v5, v6;
	v42 =	vadd.s32 v36, v38;
	(xrf0) =	vadd.scan.msk.s32 $0xffff, v45;
	v47 =	vsel vm2, $0x1, v0  }
0xd0: {  	vm15 =	vne.s32 v53, $0x0;
	v5 =	vnsel vm4, $0x0, v5;
	v3 =	vbroadcast v42, $0xF;
	v44, _, _ =	vpop (xrf0);
	(xrf0) =	vadd.scan.msk.s32 $0xffff, v47  }
0xd1: {  	v57 =	vsel vm15, $0x1, v0;
	vm3 =	vne.s32 v39, $0x0;
	[tilespmem:$0x210] =	vst v5;
	v5 =	vadd.s32 v42, v44  }
0xd2: {  	v50 =	vsel vm3, $0x1, v0;
	v3 =	vadd.s32 v3, v44;
	v49, _, _ =	vpop (xrf0);
	v48 =	vbroadcast v5, $0xF  }
0xd3: {  	v7 =	vsel vm14, $0x1, v0;
	v3 =	vnsel vm7, $0x0, v3;
	v5 =	vadd.s32 v5, v49;
	(xrf0) =	vadd.scan.msk.s32 $0xffff, v50;
	v52, _, _ =	vpop (xrf0)  }
0xd4: {  	[tilespmem:$0x220] =	vst v1;
	v51 =	vbroadcast v5, $0xF;
	v5 =	vadd.s32 v5, v52;
	v54, _, _ =	vpop (xrf0);
	v1 =	vadd.s32 v48, v49  }
0xd5: {  	(xrf0) =	vadd.scan.msk.s32 $0xffff, v7;
	[tilespmem:$0x240] =	vst v3;
	v3 =	vadd.s32 v5, v54;
	v1 =	vnsel vm5, $0x0, v1;
	v56, _, _ =	vpop (xrf0)  }
0xd6: {  	[tilespmem:$0x230] =	vst v2;
	v2 =	vadd.s32 v51, v52;
	v58 =	vbroadcast v3, $0xF;
	v3 =	vadd.s32 v3, v56;
	v59, _, _ =	vpop (xrf0)  }
0xd7: {  	v2 =	vnsel vm6, $0x0, v2;
	[tilespmem:$0x250] =	vst v1;
	v1 =	vbroadcast v3, $0xF;
	v3 =	vadd.s32 v3, v59  }
0xd8: {  	(xrf0) =	vadd.scan.msk.s32 $0xffff, v57;
	[tilespmem:$0x260] =	vst v2;
	v2 =	vadd.s32 v58, v56;
	v61 =	vbroadcast v3, $0xF  }
0xd9: {  	v60, _, _ =	vpop (xrf0);
	v2 =	vnsel vm1, $0x0, v2  }
0xda: {  	v3 =	vadd.s32 v3, v60;
	[tilespmem:$0x280] =	vst v2;
	v2 =	vadd.s32 v61, v60  }
0xdb: {  	v62, _, _ =	vpop (xrf0);
	v1 =	vadd.s32 v1, v59;
	v63 =	vbroadcast v3, $0xF;
	v2 =	vnsel vm3, $0x0, v2  }
0xdc: {  	[tilespmem:$0xC0] =	vst v53;
	v55 =	vbroadcast v5, $0xF;
	v3 =	vadd.s32 v3, v62;
	v1 =	vnsel vm2, $0x0, v1  }
0xdd: {  	v3 =	vbroadcast v3, $0xF;
	[tilespmem:$0x290] =	vst v1;
	v1 =	vadd.s32 v63, v62  }
0xde: {  	v4 =	vadd.s32 v55, v54;
	v1 =	vnsel vm14, $0x0, v1;
	[tilespmem:$0x2A0] =	vst v2;
	v2, _, _ =	vpop (xrf0)  }
0xdf: {  	v4 =	vnsel vm13, $0x0, v4;
	[tilespmem:$0x2B0] =	vst v1;
	v1 =	vadd.s32 v3, v2  }
0xe0: {  	[tilespmem:$0x270] =	vst v4;
	v1 =	vnsel vm15, $0x0, v1  }
0xe1: {  	[tilespmem:$0x2C0] =	vst v1  }
0xe2: {  	[tilespmem:s18], [sflag:$0x3] =	stream.indirect.gather [spmem:s5], $0x80, s7, s17, $0xb8;
	[tilespmem:$0x1CB40] =	vst v63  }
0xe3: {  	s19 =	simm.s32 $0x200;
	s20 =	simm.s32 $0xD400  }
0xe4: {  	[tilespmem:s20], [sflag:$0x5] =	stream.indirect.gather [spmem:s6], $0x80, s19, s17, $0xb8;
	[tilespmem:$0x1CB40] =	vst v63  }
0xe5: {  	s22 =	simm.s32 $0x4400  }
0xe6: {  	[tilespmem:s22], [sflag:$0x3] =	stream.indirect.gather [spmem:s5], $0x80, s17, s21, $0xb8;
	[tilespmem:$0x1CB40] =	vst v63  }
0xe7: {  	_ = 	snop  }
0xe8: {  	[tilespmem:s24], [sflag:$0x5] =	stream.indirect.gather [spmem:s6], $0x80, s23, s21, $0xb8;
	[tilespmem:$0x1CB40] =	vst v63  }
.LBB2_6:
0xe9: {  	_ =	swait.ge [sflag:s12], $0x6800;
	s10 =	sor.u32 s9, s10  }
0xea: {  	[sflag:s12] =	ssyncset.done $0x0;
	s19 =	smul.u32 @!p2 $0xC8, s10  }
0xeb: {  	[sflag:s12] =	ssyncadd.s32 $0xFFFF9800  }
0xec: {  	_ =	swait.ge [sflag:s13], $0x6800;
	s19 =	sshrl.u32 @!p2 s19, $0x3  }
0xed: {  	s20 =	simm.s32 @!p2 $0x0;
	[sflag:s13] =	ssyncset.done $0x0;
	s19 =	sadd.s32 @!p2 s8, s19  }
0xee: {  	s22 =	simm.s32 @!p2 $0x100;
	[sflag:s13] =	ssyncadd.s32 $0xFFFF9800;
	s19 =	sadd.s32 @!p2 $0x32, s19  }
0xef: {  	[tilespmem:s22], [sflag:$0x2] =	stream.linear.gather @!p2 [hbm4b:s19+s20], $0xC8, $0x38;
	[tilespmem:$0x1CB40] =	vst v63  }
0xf0: {  	s19 =	simm.s32 $0x0;
	s20 =	simm.s32 $0x200  }
.LBB2_7:
0xf1: {  	p2 =	sne.s32 s20, $0x18E00;
	v1 =	vld [tilespmem:s19+$0x13C70]  }
0xf2: {  	v2 =	vld [tilespmem:s19+$0x13C00]  }
0xf3: {  	v3 =	vld [tilespmem:s19+$0x13C10]  }
0xf4: {  	v4 =	vld [tilespmem:s19+$0x13C20]  }
0xf5: {  	v5 =	vld [tilespmem:s19+$0x13C30]  }
0xf6: {  	[tilespmem:s19+$0x6C70] =	vst.add.f32.msk $0xffff, v1  }
0xf7: {  	v1 =	vld [tilespmem:s19+$0x13C40]  }
0xf8: {  	v6 =	vld [tilespmem:s19+$0x13C50]  }
0xf9: {  	v7 =	vld [tilespmem:s19+$0x13C60]  }
0xfa: {  	[tilespmem:s19+$0x6C00] =	vst.add.f32.msk $0xffff, v2  }
0xfb: {  	[tilespmem:s19+$0x6C10] =	vst.add.f32.msk $0xffff, v3  }
.Ltmp2:
0xfc: {  	[tilespmem:s19+$0x6C20] =	vst.add.f32.msk $0xffff, v4;
	(pc) =	sbr.rel @p2 .LBB2_7-.Ltmp2, $4  }
0xfd: {  	[tilespmem:s19+$0x6C30] =	vst.add.f32.msk $0xffff, v5  }
0xfe: {  	[tilespmem:s19+$0x6C40] =	vst.add.f32.msk $0xffff, v1  }
0xff: {  	[tilespmem:s19+$0x6C50] =	vst.add.f32.msk $0xffff, v6  }
0x100: {  	[tilespmem:s19+$0x6C60] =	vst.add.f32.msk $0xffff, v7;
	s19 =	sshra.s32 s20, $0x2;
	s20 =	sadd.s32 $0x200, s20  }
0x101: {  	v1 =	vld [tilespmem:s19+$0x13C70]  }
0x102: {  	v2 =	vld [tilespmem:s19+$0x13C00]  }
0x103: {  	v3 =	vld [tilespmem:s19+$0x13C10]  }
0x104: {  	v4 =	vld [tilespmem:s19+$0x13C20]  }
0x105: {  	v5 =	vld [tilespmem:s19+$0x13C30]  }
0x106: {  	v6 =	vld [tilespmem:s19+$0x13C50]  }
0x107: {  	v7 =	vld [tilespmem:s19+$0x13C60]  }
0x108: {  	[tilespmem:s19+$0x6C70] =	vst.add.f32.msk $0xffff, v1  }
0x109: {  	v1 =	vld [tilespmem:s19+$0x13C40]  }
0x10a: {  	[tilespmem:s19+$0x6C00] =	vst.add.f32.msk $0xffff, v2  }
0x10b: {  	s14 =	sadd.s32 $0x1, s14;
	[tilespmem:s19+$0x6C10] =	vst.add.f32.msk $0xffff, v3  }
0x10c: {  	p2 =	sne.s32 s14, $0x10;
	[tilespmem:s19+$0x6C20] =	vst.add.f32.msk $0xffff, v4  }
.Ltmp3:
0x10d: {  	[tilespmem:s19+$0x6C30] =	vst.add.f32.msk $0xffff, v5;
	(pc) =	sbr.rel @p2 .LBB2_2-.Ltmp3, $4  }
0x10e: {  	s10 =	smul.u32 $0xC80, s10;
	[tilespmem:s19+$0x6C50] =	vst.add.f32.msk $0xffff, v6  }
0x10f: {  	[tilespmem:s19+$0x6C60] =	vst.add.f32.msk $0xffff, v7  }
0x110: {  	s10 =	sadd.s32 s3, s10;
	[tilespmem:s19+$0x6C40] =	vst.add.f32.msk $0xffff, v1  }
0x111: {  	[hbm4b:s10+s7] =	stream.linear.scatter [tilespmem:s26], [sflag:$0x8], $0x6400, $0x38;
	[tilespmem:$0x1CB40] =	vst v63  }
0x112: {  	_ =	swait.ge [sflag:s11], $0x6400  }
0x113: {  	[sflag:s11] =	ssyncset.done $0x0  }
0x114: {  	s14 =	simm.s32 $0x8;
	[sflag:s11] =	ssyncadd.s32 $0xFFFF9C00  }
0x115: {  	_ =	swait.ge [sflag:s14], $0x6400  }
0x116: {  	s19 =	rddreg [dreg:$0xc]  }
0x117: {  	s10 =	rddreg [dreg:$0x9];
	s19 =	sadd.s32 $0x1, s19  }
0x118: {  	p2 =	sne.s32 s19, s10  }
.Ltmp4:
0x119: {  	_ = 	snop;
	(pc) =	sbr.rel @p2 .LBB2_1-.Ltmp4, $3  }
0x11a: {  	_ =	sdelay $0x1  }
0x11b: {  	[sflag:s14] =	ssyncset.done $0x0  }
0x11c: {  	[sflag:s14] =	ssyncadd.s32 $0xFFFF9C00  }
0x11d: {  	_ =	sfence.sel $0x180000  }
0x11e: {  	[bflag:$0x0] =	sbarrier.arrive $0xFFFF  }
0x11f: {  	_ =	strace $0x90000047  }
0x120: {  	s0 =	stileid.u32;
	[bflag:$0x2] =	sbarrier.arrive $0xFFFF  }
0x121: {  	p0 =	sne.s32 s0, $0x0;
	s0 =	rddreg [dreg:$0x6]  }
0x122: {  	s0 =	sadd.s32 @!p0 $0x100000, s0  }
0x123: {  	[sflag:s0] =	ssyncadd.tile.s32 @!p0 $0x1;
	_ =	shalt  }
.Lfunc_end2:
_tile_overlayer_lowered:
.L_overlay_start_2:
0x124: {  	(tag) =	ssettag $0x2  }
0x125: {  	s0 =	rddreg [dreg:$0x0];
	s2 =	stileid.u32  }
0x126: {  	s1 =	rddreg [dreg:$0x1];
	p0 =	sne.s32 s2, $0x0  }
0x127: {  	s3 =	rddreg [dreg:$0x2];
	[bflag:$0x3] =	sbarrier.arrive $0xFFFF;
	s2 =	simm.s32 @!p0 $0x1C09  }
0x128: {  	[timem:s3], [sflag:s2] =	dma.local @!p0 [hbm:s0], s1  }
0x129: {  	s0 =	simm.s32 @!p0 $0x9  }
0x12a: {  	_ =	swait.ge @!p0 [sflag:s0], s1  }
0x12b: {  	s1 =	ssub.s32 @!p0 $0x0, s1;
	[sflag:s0] =	ssyncset.done @!p0 $0x0  }
0x12c: {  	[sflag:s0] =	ssyncadd.s32 @!p0 s1  }
0x12d: {  	[bflag:$0x3] =	sbarrier.arrive $0xFFFF  }
0x12e: {  	_ =	shalt  }

</sc_bundles>
